<compile_context>
chip_gen: v7x
topology: tpu7x:2x2x1
jax: 0.10.2.dev20260603
libtpu: 0.0.44.dev20260713+nightly
codegen_flags: <defaults>
</compile_context>

<pallas_src>
import functools

import numpy as np

import jax
import jax.numpy as jnp
from jax import lax
from jax.experimental import pallas as pl
from jax.experimental.pallas import tpu as pltpu
from jax.experimental.pallas import tpu_sc as plsc

_N = 1048576
_NC = 2
_NS = 16
_NW = _NC * _NS
_L = 16
_R = _N // _NW
_CHUNK = 4096
_NCHUNK = _R // _CHUNK
_ITERS = _CHUNK // _L
_UNROLL = 8


def _sc_body(d_hbm, t_hbm, m_hbm, out_hbm,
             b0, b1, b2, b3, b4, b5, accv, sem0, sem1):
    wid = lax.axis_index("s") * _NC + lax.axis_index("c")

    bufs = ((b0, b1, b2, sem0), (b3, b4, b5, sem1))

    def start_chunk(g, buf):
        db, tb, mb, sem = buf
        base = wid * _R + g * _CHUNK
        sl = pl.ds(base, _CHUNK)
        return (pltpu.async_copy(d_hbm.at[sl], db, sem),
                pltpu.async_copy(t_hbm.at[sl], tb, sem),
                pltpu.async_copy(m_hbm.at[sl], mb, sem))

    def do_chunk(buf, acc):
        db, tb, mb, _ = buf

        def group(j, u, aa, at):
            sl = pl.ds((j + u) * _L, _L)
            dv = db[sl]
            t = tb[sl]
            mk = mb[sl]
            sf = (1 - 2 * t).astype(jnp.float32)
            mx = jnp.maximum(sf * dv, 0.0)
            e = jnp.exp(-jnp.abs(dv))
            p = -0.074736148
            p = p * e + 0.25462221
            p = p * e + -0.48664306
            p = p * e + 0.99962038
            sp = mx + e * p
            return aa + sp, at + mk.astype(jnp.float32) * sp

        @plsc.parallel_loop(0, _ITERS // _UNROLL, carry=acc)
        def new_acc(j, carry):
            accs = list(carry)
            for u in range(_UNROLL):
                aa, at = accs[u]
                accs[u] = group(j * _UNROLL, u, aa, at)
            return tuple(accs)

        return new_acc

    def wait_chunk(buf):
        db, tb, mb, sem = buf
        sl = pl.ds(0, _CHUNK)
        pltpu.make_async_copy(d_hbm.at[sl], db, sem).wait()
        pltpu.make_async_copy(t_hbm.at[sl], tb, sem).wait()
        pltpu.make_async_copy(m_hbm.at[sl], mb, sem).wait()

    zeros = jnp.zeros((_L,), jnp.float32)
    acc0 = tuple((zeros, zeros) for _ in range(_UNROLL))
    start_chunk(0, bufs[0])
    start_chunk(1, bufs[1])

    @pl.loop(0, _NCHUNK, step=2, init_carry=acc0)
    def acc(g, acc):
        for b in range(2):
            buf = bufs[b]
            wait_chunk(buf)
            acc = do_chunk(buf, acc)

            @pl.when(g + 2 + b < _NCHUNK)
            def _():
                start_chunk(g + 2 + b, buf)
        return acc

    acc_all = acc[0][0]
    acc_thin = acc[0][1]
    for u in range(1, _UNROLL):
        acc_all = acc_all + acc[u][0]
        acc_thin = acc_thin + acc[u][1]
    accv[pl.ds(0, _L)] = acc_all
    accv[pl.ds(_L, _L)] = acc_thin
    pltpu.sync_copy(accv, out_hbm.at[pl.ds(wid * (2 * _L), 2 * _L)])


_sc_kernel = functools.partial(
    pl.kernel,
    mesh=plsc.VectorSubcoreMesh(core_axis_name="c", subcore_axis_name="s"),
    out_type=jax.ShapeDtypeStruct((_NW * 2 * _L,), jnp.float32),
    scratch_types=[
        pltpu.VMEM((_CHUNK,), jnp.float32),
        pltpu.VMEM((_CHUNK,), jnp.int32),
        pltpu.VMEM((_CHUNK,), jnp.int32),
        pltpu.VMEM((_CHUNK,), jnp.float32),
        pltpu.VMEM((_CHUNK,), jnp.int32),
        pltpu.VMEM((_CHUNK,), jnp.int32),
        pltpu.VMEM((2 * _L,), jnp.float32),
        pltpu.SemaphoreType.DMA,
        pltpu.SemaphoreType.DMA,
    ],
    compiler_params=pltpu.CompilerParams(needs_layout_passes=False),
)(_sc_body)


_SEL_ALL = np.tile(np.repeat(np.array([1.0, 0.0], np.float32), _L), _NW)
_SEL_THIN = np.tile(np.repeat(np.array([0.0, 1.0], np.float32), _L), _NW)


def kernel(outputs, targets, thin_mask, thin_weight):
    d = jnp.dot(outputs, jnp.asarray(np.array([-1.0, 1.0], np.float32)))
    partials = _sc_kernel(d, targets, thin_mask)
    tw = jnp.asarray(thin_weight, jnp.float32)
    wvec = _SEL_ALL + (tw - 1.0) * _SEL_THIN
    loss = jnp.dot(partials, wvec) * (1.0 / _N)
    return loss.astype(jnp.float32)

# --- scband reference (transcript-rebuilt; emitter-appended) ---
"""Pipeline reference for scband-thin-vessel-loss-51926154608944 (READ-ONLY COPY).

The authoritative reference and input builder live on the scoring server;
editing this copy changes nothing except your own understanding.
"""

import jax, jax.numpy as jnp
import numpy as np


def setup_inputs(seed: int = 0) -> dict:
    key = jax.random.key(seed)
    k1, k2, k3 = jax.random.split(key, 3)
    N = 1048576
    C = 2
    outputs = jax.random.normal(k1, (N, C), dtype=jnp.float32)
    targets = jax.random.randint(k2, (N,), 0, C, dtype=jnp.int32)
    thin_mask = jax.random.randint(k3, (N,), 0, 2, dtype=jnp.int32)
    thin_weight = 3.0
    return {"outputs": outputs, "targets": targets, "thin_mask": thin_mask, "thin_weight": thin_weight}


def reference(outputs, targets, thin_mask, thin_weight):
    N, C = outputs.shape
    P = jax.nn.softmax(outputs, axis=1)
    # class_mask.scatter_(1, ids, 1.0) -> one-hot via scatter-overwrite
    class_mask = jnp.zeros((N, C), dtype=outputs.dtype).at[jnp.arange(N), targets].set(1.0)
    probs = jnp.sum(P * class_mask, axis=1)
    logp = jnp.log(probs)
    # thin_loss = sum over rows where thin_mask==1 of -thin_weight*log(p)
    thin_loss = -thin_weight * jnp.sum(jnp.where(thin_mask == 1, logp, 0.0))
    # mid_loss = sum over rows where thin_mask==0 of -log(p)
    mid_loss = -jnp.sum(jnp.where(thin_mask == 0, logp, 0.0))
    loss = (thin_loss + mid_loss) / N
    return loss

if __name__ == "__main__":
    import jax
    _d = setup_inputs()
    print(jax.jit(kernel)(*tuple(_d.values())))

</pallas_src>

<mosaic_0001>
#map = affine_map<(d0, d1) -> (0)>
module attributes {stable_mosaic.version = 14 : i64} {
  func.func @_sc_body(%arg0: i32, %arg1: i32, %arg2: memref<1048576xf32, #tpu.memory_space<hbm>>, %arg3: memref<1048576xi32, #tpu.memory_space<hbm>>, %arg4: memref<1048576xi32, #tpu.memory_space<hbm>>, %arg5: memref<1024xf32, #tpu.memory_space<hbm>>, %arg6: memref<4096xf32, #tpu.memory_space<vmem>>, %arg7: memref<4096xi32, #tpu.memory_space<vmem>>, %arg8: memref<4096xi32, #tpu.memory_space<vmem>>, %arg9: memref<4096xf32, #tpu.memory_space<vmem>>, %arg10: memref<4096xi32, #tpu.memory_space<vmem>>, %arg11: memref<4096xi32, #tpu.memory_space<vmem>>, %arg12: memref<32xf32, #tpu.memory_space<vmem>>, %arg13: memref<!tpu.dma_semaphore, #tpu.memory_space<semaphore_mem>>, %arg14: memref<!tpu.dma_semaphore, #tpu.memory_space<semaphore_mem>>) attributes {dimension_semantics = [#tpu.dimension_semantics<core_parallel>, #tpu.dimension_semantics<subcore_parallel>], iteration_bounds = array<i64: 2, 16>, scalar_prefetch = 0 : i64, scratch_operands = 9 : i64, tpu.core_type = #tpu.core_type<sc_vector_subcore>, window_params = [{transform_indices = #map}, {transform_indices = #map}, {transform_indices = #map}, {transform_indices = #map}]} {
    %mul3A = arith.constant 2 : i32
    %mul3A_0 = arith.muli %arg1, %mul3A : i32
    %add3A = arith.addi %mul3A_0, %arg0 : i32
    %broadcast_in_dim3A = arith.constant 0.000000e+00 : f32
    %broadcast_in_dim3A_1 = vector.broadcast %broadcast_in_dim3A : f32 to vector<16xf32>
    %mul3A_2 = arith.constant 32768 : i32
    %mul3A_3 = arith.muli %add3A, %mul3A_2 : i32
    %add3A_4 = arith.constant 0 : i32
    %add3A_5 = arith.addi %mul3A_3, %add3A_4 : i32
    %dma_start3A = tpu.memref_slice %arg2[%add3A_5] : memref<1048576xf32, #tpu.memory_space<hbm>> -> memref<4096xf32, #tpu.memory_space<hbm>>
    %dma_start3A_6 = tpu.memref_slice %arg2[%add3A_5] : memref<1048576xf32, #tpu.memory_space<hbm>> -> memref<4096xf32, #tpu.memory_space<hbm>>
    tpu.enqueue_dma source(%dma_start3A_6 : memref<4096xf32, #tpu.memory_space<hbm>>) target(%arg6 : memref<4096xf32, #tpu.memory_space<vmem>>) target_semaphore(%arg13 : memref<!tpu.dma_semaphore, #tpu.memory_space<semaphore_mem>>)
    %dma_start3A_7 = tpu.memref_slice %arg3[%add3A_5] : memref<1048576xi32, #tpu.memory_space<hbm>> -> memref<4096xi32, #tpu.memory_space<hbm>>
    %dma_start3A_8 = tpu.memref_slice %arg3[%add3A_5] : memref<1048576xi32, #tpu.memory_space<hbm>> -> memref<4096xi32, #tpu.memory_space<hbm>>
    tpu.enqueue_dma source(%dma_start3A_8 : memref<4096xi32, #tpu.memory_space<hbm>>) target(%arg7 : memref<4096xi32, #tpu.memory_space<vmem>>) target_semaphore(%arg13 : memref<!tpu.dma_semaphore, #tpu.memory_space<semaphore_mem>>)
    %dma_start3A_9 = tpu.memref_slice %arg4[%add3A_5] : memref<1048576xi32, #tpu.memory_space<hbm>> -> memref<4096xi32, #tpu.memory_space<hbm>>
    %dma_start3A_10 = tpu.memref_slice %arg4[%add3A_5] : memref<1048576xi32, #tpu.memory_space<hbm>> -> memref<4096xi32, #tpu.memory_space<hbm>>
    tpu.enqueue_dma source(%dma_start3A_10 : memref<4096xi32, #tpu.memory_space<hbm>>) target(%arg8 : memref<4096xi32, #tpu.memory_space<vmem>>) target_semaphore(%arg13 : memref<!tpu.dma_semaphore, #tpu.memory_space<semaphore_mem>>)
    %mul3A_11 = arith.constant 32768 : i32
    %mul3A_12 = arith.muli %add3A, %mul3A_11 : i32
    %add3A_13 = arith.constant 4096 : i32
    %add3A_14 = arith.addi %mul3A_12, %add3A_13 : i32
    %dma_start3A_15 = tpu.memref_slice %arg2[%add3A_14] : memref<1048576xf32, #tpu.memory_space<hbm>> -> memref<4096xf32, #tpu.memory_space<hbm>>
    %dma_start3A_16 = tpu.memref_slice %arg2[%add3A_14] : memref<1048576xf32, #tpu.memory_space<hbm>> -> memref<4096xf32, #tpu.memory_space<hbm>>
    tpu.enqueue_dma source(%dma_start3A_16 : memref<4096xf32, #tpu.memory_space<hbm>>) target(%arg9 : memref<4096xf32, #tpu.memory_space<vmem>>) target_semaphore(%arg14 : memref<!tpu.dma_semaphore, #tpu.memory_space<semaphore_mem>>)
    %dma_start3A_17 = tpu.memref_slice %arg3[%add3A_14] : memref<1048576xi32, #tpu.memory_space<hbm>> -> memref<4096xi32, #tpu.memory_space<hbm>>
    %dma_start3A_18 = tpu.memref_slice %arg3[%add3A_14] : memref<1048576xi32, #tpu.memory_space<hbm>> -> memref<4096xi32, #tpu.memory_space<hbm>>
    tpu.enqueue_dma source(%dma_start3A_18 : memref<4096xi32, #tpu.memory_space<hbm>>) target(%arg10 : memref<4096xi32, #tpu.memory_space<vmem>>) target_semaphore(%arg14 : memref<!tpu.dma_semaphore, #tpu.memory_space<semaphore_mem>>)
    %dma_start3A_19 = tpu.memref_slice %arg4[%add3A_14] : memref<1048576xi32, #tpu.memory_space<hbm>> -> memref<4096xi32, #tpu.memory_space<hbm>>
    %dma_start3A_20 = tpu.memref_slice %arg4[%add3A_14] : memref<1048576xi32, #tpu.memory_space<hbm>> -> memref<4096xi32, #tpu.memory_space<hbm>>
    tpu.enqueue_dma source(%dma_start3A_20 : memref<4096xi32, #tpu.memory_space<hbm>>) target(%arg11 : memref<4096xi32, #tpu.memory_space<vmem>>) target_semaphore(%arg14 : memref<!tpu.dma_semaphore, #tpu.memory_space<semaphore_mem>>)
    %scan3A = arith.constant 0 : i32
    %scan3A_21 = arith.constant 4 : i32
    %scan3A_22 = arith.addi %scan3A, %scan3A_21 : i32
    %scan3A_23 = arith.constant 1 : i32
    %scan3A_24:16 = scf.for %scan3A_45 = %scan3A to %scan3A_22 step %scan3A_23 iter_args(%scan3A_46 = %broadcast_in_dim3A_1, %scan3A_47 = %broadcast_in_dim3A_1, %scan3A_48 = %broadcast_in_dim3A_1, %scan3A_49 = %broadcast_in_dim3A_1, %scan3A_50 = %broadcast_in_dim3A_1, %scan3A_51 = %broadcast_in_dim3A_1, %scan3A_52 = %broadcast_in_dim3A_1, %scan3A_53 = %broadcast_in_dim3A_1, %scan3A_54 = %broadcast_in_dim3A_1, %scan3A_55 = %broadcast_in_dim3A_1, %scan3A_56 = %broadcast_in_dim3A_1, %scan3A_57 = %broadcast_in_dim3A_1, %scan3A_58 = %broadcast_in_dim3A_1, %scan3A_59 = %broadcast_in_dim3A_1, %scan3A_60 = %broadcast_in_dim3A_1, %scan3A_61 = %broadcast_in_dim3A_1) -> (vector<16xf32>, vector<16xf32>, vector<16xf32>, vector<16xf32>, vector<16xf32>, vector<16xf32>, vector<16xf32>, vector<16xf32>, vector<16xf32>, vector<16xf32>, vector<16xf32>, vector<16xf32>, vector<16xf32>, vector<16xf32>, vector<16xf32>, vector<16xf32>)  : i32 {
      %mul3A_62 = arith.constant 2 : i32
      %mul3A_63 = arith.muli %scan3A_45, %mul3A_62 : i32
      %add3A_64 = arith.constant 0 : i32
      %add3A_65 = arith.addi %add3A_64, %mul3A_63 : i32
      %dma_wait3A = arith.constant 0 : i32
      %dma_wait3A_66 = tpu.memref_slice %arg2[%dma_wait3A] : memref<1048576xf32, #tpu.memory_space<hbm>> -> memref<4096xf32, #tpu.memory_space<hbm>>
      %dma_wait3A_67 = arith.constant 0 : i32
      %dma_wait3A_68 = tpu.memref_slice %arg2[%dma_wait3A_67] : memref<1048576xf32, #tpu.memory_space<hbm>> -> memref<4096xf32, #tpu.memory_space<hbm>>
      tpu.wait_dma2 semaphore(%arg13 : memref<!tpu.dma_semaphore, #tpu.memory_space<semaphore_mem>>) src(%dma_wait3A_68 : memref<4096xf32, #tpu.memory_space<hbm>>) dst(%arg6 : memref<4096xf32, #tpu.memory_space<vmem>>)
      %dma_wait3A_69 = arith.constant 0 : i32
      %dma_wait3A_70 = tpu.memref_slice %arg3[%dma_wait3A_69] : memref<1048576xi32, #tpu.memory_space<hbm>> -> memref<4096xi32, #tpu.memory_space<hbm>>
      %dma_wait3A_71 = arith.constant 0 : i32
      %dma_wait3A_72 = tpu.memref_slice %arg3[%dma_wait3A_71] : memref<1048576xi32, #tpu.memory_space<hbm>> -> memref<4096xi32, #tpu.memory_space<hbm>>
      tpu.wait_dma2 semaphore(%arg13 : memref<!tpu.dma_semaphore, #tpu.memory_space<semaphore_mem>>) src(%dma_wait3A_72 : memref<4096xi32, #tpu.memory_space<hbm>>) dst(%arg7 : memref<4096xi32, #tpu.memory_space<vmem>>)
      %dma_wait3A_73 = arith.constant 0 : i32
      %dma_wait3A_74 = tpu.memref_slice %arg4[%dma_wait3A_73] : memref<1048576xi32, #tpu.memory_space<hbm>> -> memref<4096xi32, #tpu.memory_space<hbm>>
      %dma_wait3A_75 = arith.constant 0 : i32
      %dma_wait3A_76 = tpu.memref_slice %arg4[%dma_wait3A_75] : memref<1048576xi32, #tpu.memory_space<hbm>> -> memref<4096xi32, #tpu.memory_space<hbm>>
      tpu.wait_dma2 semaphore(%arg13 : memref<!tpu.dma_semaphore, #tpu.memory_space<semaphore_mem>>) src(%dma_wait3A_76 : memref<4096xi32, #tpu.memory_space<hbm>>) dst(%arg8 : memref<4096xi32, #tpu.memory_space<vmem>>)
      %parallel_loop3A = arith.constant 0 : i32
      %parallel_loop3A_77 = arith.constant 32 : i32
      %parallel_loop3A_78 = arith.constant 1 : i32
      %parallel_loop3A_79:16 = scf.for %parallel_loop3A_111 = %parallel_loop3A to %parallel_loop3A_77 step %parallel_loop3A_78 iter_args(%parallel_loop3A_112 = %scan3A_46, %parallel_loop3A_113 = %scan3A_47, %parallel_loop3A_114 = %scan3A_48, %parallel_loop3A_115 = %scan3A_49, %parallel_loop3A_116 = %scan3A_50, %parallel_loop3A_117 = %scan3A_51, %parallel_loop3A_118 = %scan3A_52, %parallel_loop3A_119 = %scan3A_53, %parallel_loop3A_120 = %scan3A_54, %parallel_loop3A_121 = %scan3A_55, %parallel_loop3A_122 = %scan3A_56, %parallel_loop3A_123 = %scan3A_57, %parallel_loop3A_124 = %scan3A_58, %parallel_loop3A_125 = %scan3A_59, %parallel_loop3A_126 = %scan3A_60, %parallel_loop3A_127 = %scan3A_61) -> (vector<16xf32>, vector<16xf32>, vector<16xf32>, vector<16xf32>, vector<16xf32>, vector<16xf32>, vector<16xf32>, vector<16xf32>, vector<16xf32>, vector<16xf32>, vector<16xf32>, vector<16xf32>, vector<16xf32>, vector<16xf32>, vector<16xf32>, vector<16xf32>)  : i32 {
        %parallel_loop3A_128 = arith.constant 8 : i32
        %parallel_loop3A_129 = arith.muli %parallel_loop3A_111, %parallel_loop3A_128 : i32
        %parallel_loop3A_130 = arith.constant 0 : i32
        %parallel_loop3A_131 = arith.addi %parallel_loop3A_129, %parallel_loop3A_130 : i32
        %parallel_loop3A_132 = arith.constant 16 : i32
        %parallel_loop3A_133 = arith.muli %parallel_loop3A_131, %parallel_loop3A_132 : i32
        %parallel_loop3A_134 = arith.index_cast %parallel_loop3A_133 : i32 to index
        %parallel_loop3A_135 = tpu.vector_load %arg6[%parallel_loop3A_134] {strides = array<i32>} : memref<4096xf32, #tpu.memory_space<vmem>>, vector<16xf32>,
        %parallel_loop3A_136 = arith.index_cast %parallel_loop3A_133 : i32 to index
        %parallel_loop3A_137 = tpu.vector_load %arg7[%parallel_loop3A_136] {strides = array<i32>} : memref<4096xi32, #tpu.memory_space<vmem>>, vector<16xi32>,
        %parallel_loop3A_138 = arith.index_cast %parallel_loop3A_133 : i32 to index
        %parallel_loop3A_139 = tpu.vector_load %arg8[%parallel_loop3A_138] {strides = array<i32>} : memref<4096xi32, #tpu.memory_space<vmem>>, vector<16xi32>,
        %parallel_loop3A_140 = arith.constant 2 : i32
        %parallel_loop3A_141 = vector.broadcast %parallel_loop3A_140 : i32 to vector<16xi32>
        %parallel_loop3A_142 = arith.muli %parallel_loop3A_141, %parallel_loop3A_137 : vector<16xi32>
        %parallel_loop3A_143 = arith.constant 1 : i32
        %parallel_loop3A_144 = vector.broadcast %parallel_loop3A_143 : i32 to vector<16xi32>
        %parallel_loop3A_145 = arith.subi %parallel_loop3A_144, %parallel_loop3A_142 : vector<16xi32>
        %parallel_loop3A_146 = arith.sitofp %parallel_loop3A_145 : vector<16xi32> to vector<16xf32>
        %parallel_loop3A_147 = arith.mulf %parallel_loop3A_146, %parallel_loop3A_135 : vector<16xf32>
        %parallel_loop3A_148 = arith.constant 0.000000e+00 : f32
        %parallel_loop3A_149 = vector.broadcast %parallel_loop3A_148 : f32 to vector<16xf32>
        %parallel_loop3A_150 = arith.maximumf %parallel_loop3A_147, %parallel_loop3A_149 : vector<16xf32>
        %parallel_loop3A_151 = math.absf %parallel_loop3A_135 : vector<16xf32>
        %parallel_loop3A_152 = arith.constant 0.000000e+00 : f32
        %parallel_loop3A_153 = vector.broadcast %parallel_loop3A_152 : f32 to vector<16xf32>
        %parallel_loop3A_154 = arith.subf %parallel_loop3A_153, %parallel_loop3A_151 : vector<16xf32>
        %parallel_loop3A_155 = math.exp %parallel_loop3A_154 : vector<16xf32>
        %parallel_loop3A_156 = arith.constant -0.0747361481 : f32
        %parallel_loop3A_157 = vector.broadcast %parallel_loop3A_156 : f32 to vector<16xf32>
        %parallel_loop3A_158 = arith.mulf %parallel_loop3A_157, %parallel_loop3A_155 : vector<16xf32>
        %parallel_loop3A_159 = arith.constant 0.254622221 : f32
        %parallel_loop3A_160 = vector.broadcast %parallel_loop3A_159 : f32 to vector<16xf32>
        %parallel_loop3A_161 = arith.addf %parallel_loop3A_158, %parallel_loop3A_160 : vector<16xf32>
        %parallel_loop3A_162 = arith.mulf %parallel_loop3A_161, %parallel_loop3A_155 : vector<16xf32>
        %parallel_loop3A_163 = arith.constant -0.486643046 : f32
        %parallel_loop3A_164 = vector.broadcast %parallel_loop3A_163 : f32 to vector<16xf32>
        %parallel_loop3A_165 = arith.addf %parallel_loop3A_162, %parallel_loop3A_164 : vector<16xf32>
        %parallel_loop3A_166 = arith.mulf %parallel_loop3A_165, %parallel_loop3A_155 : vector<16xf32>
        %parallel_loop3A_167 = arith.constant 0.999620378 : f32
        %parallel_loop3A_168 = vector.broadcast %parallel_loop3A_167 : f32 to vector<16xf32>
        %parallel_loop3A_169 = arith.addf %parallel_loop3A_166, %parallel_loop3A_168 : vector<16xf32>
        %parallel_loop3A_170 = arith.mulf %parallel_loop3A_155, %parallel_loop3A_169 : vector<16xf32>
        %parallel_loop3A_171 = arith.addf %parallel_loop3A_150, %parallel_loop3A_170 : vector<16xf32>
        %parallel_loop3A_172 = arith.addf %parallel_loop3A_112, %parallel_loop3A_171 : vector<16xf32>
        %parallel_loop3A_173 = arith.sitofp %parallel_loop3A_139 : vector<16xi32> to vector<16xf32>
        %parallel_loop3A_174 = arith.mulf %parallel_loop3A_173, %parallel_loop3A_171 : vector<16xf32>
        %parallel_loop3A_175 = arith.addf %parallel_loop3A_113, %parallel_loop3A_174 : vector<16xf32>
        %parallel_loop3A_176 = arith.constant 8 : i32
        %parallel_loop3A_177 = arith.muli %parallel_loop3A_111, %parallel_loop3A_176 : i32
        %parallel_loop3A_178 = arith.constant 1 : i32
        %parallel_loop3A_179 = arith.addi %parallel_loop3A_177, %parallel_loop3A_178 : i32
        %parallel_loop3A_180 = arith.constant 16 : i32
        %parallel_loop3A_181 = arith.muli %parallel_loop3A_179, %parallel_loop3A_180 : i32
        %parallel_loop3A_182 = arith.index_cast %parallel_loop3A_181 : i32 to index
        %parallel_loop3A_183 = tpu.vector_load %arg6[%parallel_loop3A_182] {strides = array<i32>} : memref<4096xf32, #tpu.memory_space<vmem>>, vector<16xf32>,
        %parallel_loop3A_184 = arith.index_cast %parallel_loop3A_181 : i32 to index
        %parallel_loop3A_185 = tpu.vector_load %arg7[%parallel_loop3A_184] {strides = array<i32>} : memref<4096xi32, #tpu.memory_space<vmem>>, vector<16xi32>,
        %parallel_loop3A_186 = arith.index_cast %parallel_loop3A_181 : i32 to index
        %parallel_loop3A_187 = tpu.vector_load %arg8[%parallel_loop3A_186] {strides = array<i32>} : memref<4096xi32, #tpu.memory_space<vmem>>, vector<16xi32>,
        %parallel_loop3A_188 = arith.constant 2 : i32
        %parallel_loop3A_189 = vector.broadcast %parallel_loop3A_188 : i32 to vector<16xi32>
        %parallel_loop3A_190 = arith.muli %parallel_loop3A_189, %parallel_loop3A_185 : vector<16xi32>
        %parallel_loop3A_191 = arith.constant 1 : i32
        %parallel_loop3A_192 = vector.broadcast %parallel_loop3A_191 : i32 to vector<16xi32>
        %parallel_loop3A_193 = arith.subi %parallel_loop3A_192, %parallel_loop3A_190 : vector<16xi32>
        %parallel_loop3A_194 = arith.sitofp %parallel_loop3A_193 : vector<16xi32> to vector<16xf32>
        %parallel_loop3A_195 = arith.mulf %parallel_loop3A_194, %parallel_loop3A_183 : vector<16xf32>
        %parallel_loop3A_196 = arith.constant 0.000000e+00 : f32
        %parallel_loop3A_197 = vector.broadcast %parallel_loop3A_196 : f32 to vector<16xf32>
        %parallel_loop3A_198 = arith.maximumf %parallel_loop3A_195, %parallel_loop3A_197 : vector<16xf32>
        %parallel_loop3A_199 = math.absf %parallel_loop3A_183 : vector<16xf32>
        %parallel_loop3A_200 = arith.constant 0.000000e+00 : f32
        %parallel_loop3A_201 = vector.broadcast %parallel_loop3A_200 : f32 to vector<16xf32>
        %parallel_loop3A_202 = arith.subf %parallel_loop3A_201, %parallel_loop3A_199 : vector<16xf32>
        %parallel_loop3A_203 = math.exp %parallel_loop3A_202 : vector<16xf32>
        %parallel_loop3A_204 = arith.constant -0.0747361481 : f32
        %parallel_loop3A_205 = vector.broadcast %parallel_loop3A_204 : f32 to vector<16xf32>
        %parallel_loop3A_206 = arith.mulf %parallel_loop3A_205, %parallel_loop3A_203 : vector<16xf32>
        %parallel_loop3A_207 = arith.constant 0.254622221 : f32
        %parallel_loop3A_208 = vector.broadcast %parallel_loop3A_207 : f32 to vector<16xf32>
        %parallel_loop3A_209 = arith.addf %parallel_loop3A_206, %parallel_loop3A_208 : vector<16xf32>
        %parallel_loop3A_210 = arith.mulf %parallel_loop3A_209, %parallel_loop3A_203 : vector<16xf32>
        %parallel_loop3A_211 = arith.constant -0.486643046 : f32
        %parallel_loop3A_212 = vector.broadcast %parallel_loop3A_211 : f32 to vector<16xf32>
        %parallel_loop3A_213 = arith.addf %parallel_loop3A_210, %parallel_loop3A_212 : vector<16xf32>
        %parallel_loop3A_214 = arith.mulf %parallel_loop3A_213, %parallel_loop3A_203 : vector<16xf32>
        %parallel_loop3A_215 = arith.constant 0.999620378 : f32
        %parallel_loop3A_216 = vector.broadcast %parallel_loop3A_215 : f32 to vector<16xf32>
        %parallel_loop3A_217 = arith.addf %parallel_loop3A_214, %parallel_loop3A_216 : vector<16xf32>
        %parallel_loop3A_218 = arith.mulf %parallel_loop3A_203, %parallel_loop3A_217 : vector<16xf32>
        %parallel_loop3A_219 = arith.addf %parallel_loop3A_198, %parallel_loop3A_218 : vector<16xf32>
        %parallel_loop3A_220 = arith.addf %parallel_loop3A_114, %parallel_loop3A_219 : vector<16xf32>
        %parallel_loop3A_221 = arith.sitofp %parallel_loop3A_187 : vector<16xi32> to vector<16xf32>
        %parallel_loop3A_222 = arith.mulf %parallel_loop3A_221, %parallel_loop3A_219 : vector<16xf32>
        %parallel_loop3A_223 = arith.addf %parallel_loop3A_115, %parallel_loop3A_222 : vector<16xf32>
        %parallel_loop3A_224 = arith.constant 8 : i32
        %parallel_loop3A_225 = arith.muli %parallel_loop3A_111, %parallel_loop3A_224 : i32
        %parallel_loop3A_226 = arith.constant 2 : i32
        %parallel_loop3A_227 = arith.addi %parallel_loop3A_225, %parallel_loop3A_226 : i32
        %parallel_loop3A_228 = arith.constant 16 : i32
        %parallel_loop3A_229 = arith.muli %parallel_loop3A_227, %parallel_loop3A_228 : i32
        %parallel_loop3A_230 = arith.index_cast %parallel_loop3A_229 : i32 to index
        %parallel_loop3A_231 = tpu.vector_load %arg6[%parallel_loop3A_230] {strides = array<i32>} : memref<4096xf32, #tpu.memory_space<vmem>>, vector<16xf32>,
        %parallel_loop3A_232 = arith.index_cast %parallel_loop3A_229 : i32 to index
        %parallel_loop3A_233 = tpu.vector_load %arg7[%parallel_loop3A_232] {strides = array<i32>} : memref<4096xi32, #tpu.memory_space<vmem>>, vector<16xi32>,
        %parallel_loop3A_234 = arith.index_cast %parallel_loop3A_229 : i32 to index
        %parallel_loop3A_235 = tpu.vector_load %arg8[%parallel_loop3A_234] {strides = array<i32>} : memref<4096xi32, #tpu.memory_space<vmem>>, vector<16xi32>,
        %parallel_loop3A_236 = arith.constant 2 : i32
        %parallel_loop3A_237 = vector.broadcast %parallel_loop3A_236 : i32 to vector<16xi32>
        %parallel_loop3A_238 = arith.muli %parallel_loop3A_237, %parallel_loop3A_233 : vector<16xi32>
        %parallel_loop3A_239 = arith.constant 1 : i32
        %parallel_loop3A_240 = vector.broadcast %parallel_loop3A_239 : i32 to vector<16xi32>
        %parallel_loop3A_241 = arith.subi %parallel_loop3A_240, %parallel_loop3A_238 : vector<16xi32>
        %parallel_loop3A_242 = arith.sitofp %parallel_loop3A_241 : vector<16xi32> to vector<16xf32>
        %parallel_loop3A_243 = arith.mulf %parallel_loop3A_242, %parallel_loop3A_231 : vector<16xf32>
        %parallel_loop3A_244 = arith.constant 0.000000e+00 : f32
        %parallel_loop3A_245 = vector.broadcast %parallel_loop3A_244 : f32 to vector<16xf32>
        %parallel_loop3A_246 = arith.maximumf %parallel_loop3A_243, %parallel_loop3A_245 : vector<16xf32>
        %parallel_loop3A_247 = math.absf %parallel_loop3A_231 : vector<16xf32>
        %parallel_loop3A_248 = arith.constant 0.000000e+00 : f32
        %parallel_loop3A_249 = vector.broadcast %parallel_loop3A_248 : f32 to vector<16xf32>
        %parallel_loop3A_250 = arith.subf %parallel_loop3A_249, %parallel_loop3A_247 : vector<16xf32>
        %parallel_loop3A_251 = math.exp %parallel_loop3A_250 : vector<16xf32>
        %parallel_loop3A_252 = arith.constant -0.0747361481 : f32
        %parallel_loop3A_253 = vector.broadcast %parallel_loop3A_252 : f32 to vector<16xf32>
        %parallel_loop3A_254 = arith.mulf %parallel_loop3A_253, %parallel_loop3A_251 : vector<16xf32>
        %parallel_loop3A_255 = arith.constant 0.254622221 : f32
        %parallel_loop3A_256 = vector.broadcast %parallel_loop3A_255 : f32 to vector<16xf32>
        %parallel_loop3A_257 = arith.addf %parallel_loop3A_254, %parallel_loop3A_256 : vector<16xf32>
        %parallel_loop3A_258 = arith.mulf %parallel_loop3A_257, %parallel_loop3A_251 : vector<16xf32>
        %parallel_loop3A_259 = arith.constant -0.486643046 : f32
        %parallel_loop3A_260 = vector.broadcast %parallel_loop3A_259 : f32 to vector<16xf32>
        %parallel_loop3A_261 = arith.addf %parallel_loop3A_258, %parallel_loop3A_260 : vector<16xf32>
        %parallel_loop3A_262 = arith.mulf %parallel_loop3A_261, %parallel_loop3A_251 : vector<16xf32>
        %parallel_loop3A_263 = arith.constant 0.999620378 : f32
        %parallel_loop3A_264 = vector.broadcast %parallel_loop3A_263 : f32 to vector<16xf32>
        %parallel_loop3A_265 = arith.addf %parallel_loop3A_262, %parallel_loop3A_264 : vector<16xf32>
        %parallel_loop3A_266 = arith.mulf %parallel_loop3A_251, %parallel_loop3A_265 : vector<16xf32>
        %parallel_loop3A_267 = arith.addf %parallel_loop3A_246, %parallel_loop3A_266 : vector<16xf32>
        %parallel_loop3A_268 = arith.addf %parallel_loop3A_116, %parallel_loop3A_267 : vector<16xf32>
        %parallel_loop3A_269 = arith.sitofp %parallel_loop3A_235 : vector<16xi32> to vector<16xf32>
        %parallel_loop3A_270 = arith.mulf %parallel_loop3A_269, %parallel_loop3A_267 : vector<16xf32>
        %parallel_loop3A_271 = arith.addf %parallel_loop3A_117, %parallel_loop3A_270 : vector<16xf32>
        %parallel_loop3A_272 = arith.constant 8 : i32
        %parallel_loop3A_273 = arith.muli %parallel_loop3A_111, %parallel_loop3A_272 : i32
        %parallel_loop3A_274 = arith.constant 3 : i32
        %parallel_loop3A_275 = arith.addi %parallel_loop3A_273, %parallel_loop3A_274 : i32
        %parallel_loop3A_276 = arith.constant 16 : i32
        %parallel_loop3A_277 = arith.muli %parallel_loop3A_275, %parallel_loop3A_276 : i32
        %parallel_loop3A_278 = arith.index_cast %parallel_loop3A_277 : i32 to index
        %parallel_loop3A_279 = tpu.vector_load %arg6[%parallel_loop3A_278] {strides = array<i32>} : memref<4096xf32, #tpu.memory_space<vmem>>, vector<16xf32>,
        %parallel_loop3A_280 = arith.index_cast %parallel_loop3A_277 : i32 to index
        %parallel_loop3A_281 = tpu.vector_load %arg7[%parallel_loop3A_280] {strides = array<i32>} : memref<4096xi32, #tpu.memory_space<vmem>>, vector<16xi32>,
        %parallel_loop3A_282 = arith.index_cast %parallel_loop3A_277 : i32 to index
        %parallel_loop3A_283 = tpu.vector_load %arg8[%parallel_loop3A_282] {strides = array<i32>} : memref<4096xi32, #tpu.memory_space<vmem>>, vector<16xi32>,
        %parallel_loop3A_284 = arith.constant 2 : i32
        %parallel_loop3A_285 = vector.broadcast %parallel_loop3A_284 : i32 to vector<16xi32>
        %parallel_loop3A_286 = arith.muli %parallel_loop3A_285, %parallel_loop3A_281 : vector<16xi32>
        %parallel_loop3A_287 = arith.constant 1 : i32
        %parallel_loop3A_288 = vector.broadcast %parallel_loop3A_287 : i32 to vector<16xi32>
        %parallel_loop3A_289 = arith.subi %parallel_loop3A_288, %parallel_loop3A_286 : vector<16xi32>
        %parallel_loop3A_290 = arith.sitofp %parallel_loop3A_289 : vector<16xi32> to vector<16xf32>
        %parallel_loop3A_291 = arith.mulf %parallel_loop3A_290, %parallel_loop3A_279 : vector<16xf32>
        %parallel_loop3A_292 = arith.constant 0.000000e+00 : f32
        %parallel_loop3A_293 = vector.broadcast %parallel_loop3A_292 : f32 to vector<16xf32>
        %parallel_loop3A_294 = arith.maximumf %parallel_loop3A_291, %parallel_loop3A_293 : vector<16xf32>
        %parallel_loop3A_295 = math.absf %parallel_loop3A_279 : vector<16xf32>
        %parallel_loop3A_296 = arith.constant 0.000000e+00 : f32
        %parallel_loop3A_297 = vector.broadcast %parallel_loop3A_296 : f32 to vector<16xf32>
        %parallel_loop3A_298 = arith.subf %parallel_loop3A_297, %parallel_loop3A_295 : vector<16xf32>
        %parallel_loop3A_299 = math.exp %parallel_loop3A_298 : vector<16xf32>
        %parallel_loop3A_300 = arith.constant -0.0747361481 : f32
        %parallel_loop3A_301 = vector.broadcast %parallel_loop3A_300 : f32 to vector<16xf32>
        %parallel_loop3A_302 = arith.mulf %parallel_loop3A_301, %parallel_loop3A_299 : vector<16xf32>
        %parallel_loop3A_303 = arith.constant 0.254622221 : f32
        %parallel_loop3A_304 = vector.broadcast %parallel_loop3A_303 : f32 to vector<16xf32>
        %parallel_loop3A_305 = arith.addf %parallel_loop3A_302, %parallel_loop3A_304 : vector<16xf32>
        %parallel_loop3A_306 = arith.mulf %parallel_loop3A_305, %parallel_loop3A_299 : vector<16xf32>
        %parallel_loop3A_307 = arith.constant -0.486643046 : f32
        %parallel_loop3A_308 = vector.broadcast %parallel_loop3A_307 : f32 to vector<16xf32>
        %parallel_loop3A_309 = arith.addf %parallel_loop3A_306, %parallel_loop3A_308 : vector<16xf32>
        %parallel_loop3A_310 = arith.mulf %parallel_loop3A_309, %parallel_loop3A_299 : vector<16xf32>
        %parallel_loop3A_311 = arith.constant 0.999620378 : f32
        %parallel_loop3A_312 = vector.broadcast %parallel_loop3A_311 : f32 to vector<16xf32>
        %parallel_loop3A_313 = arith.addf %parallel_loop3A_310, %parallel_loop3A_312 : vector<16xf32>
        %parallel_loop3A_314 = arith.mulf %parallel_loop3A_299, %parallel_loop3A_313 : vector<16xf32>
        %parallel_loop3A_315 = arith.addf %parallel_loop3A_294, %parallel_loop3A_314 : vector<16xf32>
        %parallel_loop3A_316 = arith.addf %parallel_loop3A_118, %parallel_loop3A_315 : vector<16xf32>
        %parallel_loop3A_317 = arith.sitofp %parallel_loop3A_283 : vector<16xi32> to vector<16xf32>
        %parallel_loop3A_318 = arith.mulf %parallel_loop3A_317, %parallel_loop3A_315 : vector<16xf32>
        %parallel_loop3A_319 = arith.addf %parallel_loop3A_119, %parallel_loop3A_318 : vector<16xf32>
        %parallel_loop3A_320 = arith.constant 8 : i32
        %parallel_loop3A_321 = arith.muli %parallel_loop3A_111, %parallel_loop3A_320 : i32
        %parallel_loop3A_322 = arith.constant 4 : i32
        %parallel_loop3A_323 = arith.addi %parallel_loop3A_321, %parallel_loop3A_322 : i32
        %parallel_loop3A_324 = arith.constant 16 : i32
        %parallel_loop3A_325 = arith.muli %parallel_loop3A_323, %parallel_loop3A_324 : i32
        %parallel_loop3A_326 = arith.index_cast %parallel_loop3A_325 : i32 to index
        %parallel_loop3A_327 = tpu.vector_load %arg6[%parallel_loop3A_326] {strides = array<i32>} : memref<4096xf32, #tpu.memory_space<vmem>>, vector<16xf32>,
        %parallel_loop3A_328 = arith.index_cast %parallel_loop3A_325 : i32 to index
        %parallel_loop3A_329 = tpu.vector_load %arg7[%parallel_loop3A_328] {strides = array<i32>} : memref<4096xi32, #tpu.memory_space<vmem>>, vector<16xi32>,
        %parallel_loop3A_330 = arith.index_cast %parallel_loop3A_325 : i32 to index
        %parallel_loop3A_331 = tpu.vector_load %arg8[%parallel_loop3A_330] {strides = array<i32>} : memref<4096xi32, #tpu.memory_space<vmem>>, vector<16xi32>,
        %parallel_loop3A_332 = arith.constant 2 : i32
        %parallel_loop3A_333 = vector.broadcast %parallel_loop3A_332 : i32 to vector<16xi32>
        %parallel_loop3A_334 = arith.muli %parallel_loop3A_333, %parallel_loop3A_329 : vector<16xi32>
        %parallel_loop3A_335 = arith.constant 1 : i32
        %parallel_loop3A_336 = vector.broadcast %parallel_loop3A_335 : i32 to vector<16xi32>
        %parallel_loop3A_337 = arith.subi %parallel_loop3A_336, %parallel_loop3A_334 : vector<16xi32>
        %parallel_loop3A_338 = arith.sitofp %parallel_loop3A_337 : vector<16xi32> to vector<16xf32>
        %parallel_loop3A_339 = arith.mulf %parallel_loop3A_338, %parallel_loop3A_327 : vector<16xf32>
        %parallel_loop3A_340 = arith.constant 0.000000e+00 : f32
        %parallel_loop3A_341 = vector.broadcast %parallel_loop3A_340 : f32 to vector<16xf32>
        %parallel_loop3A_342 = arith.maximumf %parallel_loop3A_339, %parallel_loop3A_341 : vector<16xf32>
        %parallel_loop3A_343 = math.absf %parallel_loop3A_327 : vector<16xf32>
        %parallel_loop3A_344 = arith.constant 0.000000e+00 : f32
        %parallel_loop3A_345 = vector.broadcast %parallel_loop3A_344 : f32 to vector<16xf32>
        %parallel_loop3A_346 = arith.subf %parallel_loop3A_345, %parallel_loop3A_343 : vector<16xf32>
        %parallel_loop3A_347 = math.exp %parallel_loop3A_346 : vector<16xf32>
        %parallel_loop3A_348 = arith.constant -0.0747361481 : f32
        %parallel_loop3A_349 = vector.broadcast %parallel_loop3A_348 : f32 to vector<16xf32>
        %parallel_loop3A_350 = arith.mulf %parallel_loop3A_349, %parallel_loop3A_347 : vector<16xf32>
        %parallel_loop3A_351 = arith.constant 0.254622221 : f32
        %parallel_loop3A_352 = vector.broadcast %parallel_loop3A_351 : f32 to vector<16xf32>
        %parallel_loop3A_353 = arith.addf %parallel_loop3A_350, %parallel_loop3A_352 : vector<16xf32>
        %parallel_loop3A_354 = arith.mulf %parallel_loop3A_353, %parallel_loop3A_347 : vector<16xf32>
        %parallel_loop3A_355 = arith.constant -0.486643046 : f32
        %parallel_loop3A_356 = vector.broadcast %parallel_loop3A_355 : f32 to vector<16xf32>
        %parallel_loop3A_357 = arith.addf %parallel_loop3A_354, %parallel_loop3A_356 : vector<16xf32>
        %parallel_loop3A_358 = arith.mulf %parallel_loop3A_357, %parallel_loop3A_347 : vector<16xf32>
        %parallel_loop3A_359 = arith.constant 0.999620378 : f32
        %parallel_loop3A_360 = vector.broadcast %parallel_loop3A_359 : f32 to vector<16xf32>
        %parallel_loop3A_361 = arith.addf %parallel_loop3A_358, %parallel_loop3A_360 : vector<16xf32>
        %parallel_loop3A_362 = arith.mulf %parallel_loop3A_347, %parallel_loop3A_361 : vector<16xf32>
        %parallel_loop3A_363 = arith.addf %parallel_loop3A_342, %parallel_loop3A_362 : vector<16xf32>
        %parallel_loop3A_364 = arith.addf %parallel_loop3A_120, %parallel_loop3A_363 : vector<16xf32>
        %parallel_loop3A_365 = arith.sitofp %parallel_loop3A_331 : vector<16xi32> to vector<16xf32>
        %parallel_loop3A_366 = arith.mulf %parallel_loop3A_365, %parallel_loop3A_363 : vector<16xf32>
        %parallel_loop3A_367 = arith.addf %parallel_loop3A_121, %parallel_loop3A_366 : vector<16xf32>
        %parallel_loop3A_368 = arith.constant 8 : i32
        %parallel_loop3A_369 = arith.muli %parallel_loop3A_111, %parallel_loop3A_368 : i32
        %parallel_loop3A_370 = arith.constant 5 : i32
        %parallel_loop3A_371 = arith.addi %parallel_loop3A_369, %parallel_loop3A_370 : i32
        %parallel_loop3A_372 = arith.constant 16 : i32
        %parallel_loop3A_373 = arith.muli %parallel_loop3A_371, %parallel_loop3A_372 : i32
        %parallel_loop3A_374 = arith.index_cast %parallel_loop3A_373 : i32 to index
        %parallel_loop3A_375 = tpu.vector_load %arg6[%parallel_loop3A_374] {strides = array<i32>} : memref<4096xf32, #tpu.memory_space<vmem>>, vector<16xf32>,
        %parallel_loop3A_376 = arith.index_cast %parallel_loop3A_373 : i32 to index
        %parallel_loop3A_377 = tpu.vector_load %arg7[%parallel_loop3A_376] {strides = array<i32>} : memref<4096xi32, #tpu.memory_space<vmem>>, vector<16xi32>,
        %parallel_loop3A_378 = arith.index_cast %parallel_loop3A_373 : i32 to index
        %parallel_loop3A_379 = tpu.vector_load %arg8[%parallel_loop3A_378] {strides = array<i32>} : memref<4096xi32, #tpu.memory_space<vmem>>, vector<16xi32>,
        %parallel_loop3A_380 = arith.constant 2 : i32
        %parallel_loop3A_381 = vector.broadcast %parallel_loop3A_380 : i32 to vector<16xi32>
        %parallel_loop3A_382 = arith.muli %parallel_loop3A_381, %parallel_loop3A_377 : vector<16xi32>
        %parallel_loop3A_383 = arith.constant 1 : i32
        %parallel_loop3A_384 = vector.broadcast %parallel_loop3A_383 : i32 to vector<16xi32>
        %parallel_loop3A_385 = arith.subi %parallel_loop3A_384, %parallel_loop3A_382 : vector<16xi32>
        %parallel_loop3A_386 = arith.sitofp %parallel_loop3A_385 : vector<16xi32> to vector<16xf32>
        %parallel_loop3A_387 = arith.mulf %parallel_loop3A_386, %parallel_loop3A_375 : vector<16xf32>
        %parallel_loop3A_388 = arith.constant 0.000000e+00 : f32
        %parallel_loop3A_389 = vector.broadcast %parallel_loop3A_388 : f32 to vector<16xf32>
        %parallel_loop3A_390 = arith.maximumf %parallel_loop3A_387, %parallel_loop3A_389 : vector<16xf32>
        %parallel_loop3A_391 = math.absf %parallel_loop3A_375 : vector<16xf32>
        %parallel_loop3A_392 = arith.constant 0.000000e+00 : f32
        %parallel_loop3A_393 = vector.broadcast %parallel_loop3A_392 : f32 to vector<16xf32>
        %parallel_loop3A_394 = arith.subf %parallel_loop3A_393, %parallel_loop3A_391 : vector<16xf32>
        %parallel_loop3A_395 = math.exp %parallel_loop3A_394 : vector<16xf32>
        %parallel_loop3A_396 = arith.constant -0.0747361481 : f32
        %parallel_loop3A_397 = vector.broadcast %parallel_loop3A_396 : f32 to vector<16xf32>
        %parallel_loop3A_398 = arith.mulf %parallel_loop3A_397, %parallel_loop3A_395 : vector<16xf32>
        %parallel_loop3A_399 = arith.constant 0.254622221 : f32
        %parallel_loop3A_400 = vector.broadcast %parallel_loop3A_399 : f32 to vector<16xf32>
        %parallel_loop3A_401 = arith.addf %parallel_loop3A_398, %parallel_loop3A_400 : vector<16xf32>
        %parallel_loop3A_402 = arith.mulf %parallel_loop3A_401, %parallel_loop3A_395 : vector<16xf32>
        %parallel_loop3A_403 = arith.constant -0.486643046 : f32
        %parallel_loop3A_404 = vector.broadcast %parallel_loop3A_403 : f32 to vector<16xf32>
        %parallel_loop3A_405 = arith.addf %parallel_loop3A_402, %parallel_loop3A_404 : vector<16xf32>
        %parallel_loop3A_406 = arith.mulf %parallel_loop3A_405, %parallel_loop3A_395 : vector<16xf32>
        %parallel_loop3A_407 = arith.constant 0.999620378 : f32
        %parallel_loop3A_408 = vector.broadcast %parallel_loop3A_407 : f32 to vector<16xf32>
        %parallel_loop3A_409 = arith.addf %parallel_loop3A_406, %parallel_loop3A_408 : vector<16xf32>
        %parallel_loop3A_410 = arith.mulf %parallel_loop3A_395, %parallel_loop3A_409 : vector<16xf32>
        %parallel_loop3A_411 = arith.addf %parallel_loop3A_390, %parallel_loop3A_410 : vector<16xf32>
        %parallel_loop3A_412 = arith.addf %parallel_loop3A_122, %parallel_loop3A_411 : vector<16xf32>
        %parallel_loop3A_413 = arith.sitofp %parallel_loop3A_379 : vector<16xi32> to vector<16xf32>
        %parallel_loop3A_414 = arith.mulf %parallel_loop3A_413, %parallel_loop3A_411 : vector<16xf32>
        %parallel_loop3A_415 = arith.addf %parallel_loop3A_123, %parallel_loop3A_414 : vector<16xf32>
        %parallel_loop3A_416 = arith.constant 8 : i32
        %parallel_loop3A_417 = arith.muli %parallel_loop3A_111, %parallel_loop3A_416 : i32
        %parallel_loop3A_418 = arith.constant 6 : i32
        %parallel_loop3A_419 = arith.addi %parallel_loop3A_417, %parallel_loop3A_418 : i32
        %parallel_loop3A_420 = arith.constant 16 : i32
        %parallel_loop3A_421 = arith.muli %parallel_loop3A_419, %parallel_loop3A_420 : i32
        %parallel_loop3A_422 = arith.index_cast %parallel_loop3A_421 : i32 to index
        %parallel_loop3A_423 = tpu.vector_load %arg6[%parallel_loop3A_422] {strides = array<i32>} : memref<4096xf32, #tpu.memory_space<vmem>>, vector<16xf32>,
        %parallel_loop3A_424 = arith.index_cast %parallel_loop3A_421 : i32 to index
        %parallel_loop3A_425 = tpu.vector_load %arg7[%parallel_loop3A_424] {strides = array<i32>} : memref<4096xi32, #tpu.memory_space<vmem>>, vector<16xi32>,
        %parallel_loop3A_426 = arith.index_cast %parallel_loop3A_421 : i32 to index
        %parallel_loop3A_427 = tpu.vector_load %arg8[%parallel_loop3A_426] {strides = array<i32>} : memref<4096xi32, #tpu.memory_space<vmem>>, vector<16xi32>,
        %parallel_loop3A_428 = arith.constant 2 : i32
        %parallel_loop3A_429 = vector.broadcast %parallel_loop3A_428 : i32 to vector<16xi32>
        %parallel_loop3A_430 = arith.muli %parallel_loop3A_429, %parallel_loop3A_425 : vector<16xi32>
        %parallel_loop3A_431 = arith.constant 1 : i32
        %parallel_loop3A_432 = vector.broadcast %parallel_loop3A_431 : i32 to vector<16xi32>
        %parallel_loop3A_433 = arith.subi %parallel_loop3A_432, %parallel_loop3A_430 : vector<16xi32>
        %parallel_loop3A_434 = arith.sitofp %parallel_loop3A_433 : vector<16xi32> to vector<16xf32>
        %parallel_loop3A_435 = arith.mulf %parallel_loop3A_434, %parallel_loop3A_423 : vector<16xf32>
        %parallel_loop3A_436 = arith.constant 0.000000e+00 : f32
        %parallel_loop3A_437 = vector.broadcast %parallel_loop3A_436 : f32 to vector<16xf32>
        %parallel_loop3A_438 = arith.maximumf %parallel_loop3A_435, %parallel_loop3A_437 : vector<16xf32>
        %parallel_loop3A_439 = math.absf %parallel_loop3A_423 : vector<16xf32>
        %parallel_loop3A_440 = arith.constant 0.000000e+00 : f32
        %parallel_loop3A_441 = vector.broadcast %parallel_loop3A_440 : f32 to vector<16xf32>
        %parallel_loop3A_442 = arith.subf %parallel_loop3A_441, %parallel_loop3A_439 : vector<16xf32>
        %parallel_loop3A_443 = math.exp %parallel_loop3A_442 : vector<16xf32>
        %parallel_loop3A_444 = arith.constant -0.0747361481 : f32
        %parallel_loop3A_445 = vector.broadcast %parallel_loop3A_444 : f32 to vector<16xf32>
        %parallel_loop3A_446 = arith.mulf %parallel_loop3A_445, %parallel_loop3A_443 : vector<16xf32>
        %parallel_loop3A_447 = arith.constant 0.254622221 : f32
        %parallel_loop3A_448 = vector.broadcast %parallel_loop3A_447 : f32 to vector<16xf32>
        %parallel_loop3A_449 = arith.addf %parallel_loop3A_446, %parallel_loop3A_448 : vector<16xf32>
        %parallel_loop3A_450 = arith.mulf %parallel_loop3A_449, %parallel_loop3A_443 : vector<16xf32>
        %parallel_loop3A_451 = arith.constant -0.486643046 : f32
        %parallel_loop3A_452 = vector.broadcast %parallel_loop3A_451 : f32 to vector<16xf32>
        %parallel_loop3A_453 = arith.addf %parallel_loop3A_450, %parallel_loop3A_452 : vector<16xf32>
        %parallel_loop3A_454 = arith.mulf %parallel_loop3A_453, %parallel_loop3A_443 : vector<16xf32>
        %parallel_loop3A_455 = arith.constant 0.999620378 : f32
        %parallel_loop3A_456 = vector.broadcast %parallel_loop3A_455 : f32 to vector<16xf32>
        %parallel_loop3A_457 = arith.addf %parallel_loop3A_454, %parallel_loop3A_456 : vector<16xf32>
        %parallel_loop3A_458 = arith.mulf %parallel_loop3A_443, %parallel_loop3A_457 : vector<16xf32>
        %parallel_loop3A_459 = arith.addf %parallel_loop3A_438, %parallel_loop3A_458 : vector<16xf32>
        %parallel_loop3A_460 = arith.addf %parallel_loop3A_124, %parallel_loop3A_459 : vector<16xf32>
        %parallel_loop3A_461 = arith.sitofp %parallel_loop3A_427 : vector<16xi32> to vector<16xf32>
        %parallel_loop3A_462 = arith.mulf %parallel_loop3A_461, %parallel_loop3A_459 : vector<16xf32>
        %parallel_loop3A_463 = arith.addf %parallel_loop3A_125, %parallel_loop3A_462 : vector<16xf32>
        %parallel_loop3A_464 = arith.constant 8 : i32
        %parallel_loop3A_465 = arith.muli %parallel_loop3A_111, %parallel_loop3A_464 : i32
        %parallel_loop3A_466 = arith.constant 7 : i32
        %parallel_loop3A_467 = arith.addi %parallel_loop3A_465, %parallel_loop3A_466 : i32
        %parallel_loop3A_468 = arith.constant 16 : i32
        %parallel_loop3A_469 = arith.muli %parallel_loop3A_467, %parallel_loop3A_468 : i32
        %parallel_loop3A_470 = arith.index_cast %parallel_loop3A_469 : i32 to index
        %parallel_loop3A_471 = tpu.vector_load %arg6[%parallel_loop3A_470] {strides = array<i32>} : memref<4096xf32, #tpu.memory_space<vmem>>, vector<16xf32>,
        %parallel_loop3A_472 = arith.index_cast %parallel_loop3A_469 : i32 to index
        %parallel_loop3A_473 = tpu.vector_load %arg7[%parallel_loop3A_472] {strides = array<i32>} : memref<4096xi32, #tpu.memory_space<vmem>>, vector<16xi32>,
        %parallel_loop3A_474 = arith.index_cast %parallel_loop3A_469 : i32 to index
        %parallel_loop3A_475 = tpu.vector_load %arg8[%parallel_loop3A_474] {strides = array<i32>} : memref<4096xi32, #tpu.memory_space<vmem>>, vector<16xi32>,
        %parallel_loop3A_476 = arith.constant 2 : i32
        %parallel_loop3A_477 = vector.broadcast %parallel_loop3A_476 : i32 to vector<16xi32>
        %parallel_loop3A_478 = arith.muli %parallel_loop3A_477, %parallel_loop3A_473 : vector<16xi32>
        %parallel_loop3A_479 = arith.constant 1 : i32
        %parallel_loop3A_480 = vector.broadcast %parallel_loop3A_479 : i32 to vector<16xi32>
        %parallel_loop3A_481 = arith.subi %parallel_loop3A_480, %parallel_loop3A_478 : vector<16xi32>
        %parallel_loop3A_482 = arith.sitofp %parallel_loop3A_481 : vector<16xi32> to vector<16xf32>
        %parallel_loop3A_483 = arith.mulf %parallel_loop3A_482, %parallel_loop3A_471 : vector<16xf32>
        %parallel_loop3A_484 = arith.constant 0.000000e+00 : f32
        %parallel_loop3A_485 = vector.broadcast %parallel_loop3A_484 : f32 to vector<16xf32>
        %parallel_loop3A_486 = arith.maximumf %parallel_loop3A_483, %parallel_loop3A_485 : vector<16xf32>
        %parallel_loop3A_487 = math.absf %parallel_loop3A_471 : vector<16xf32>
        %parallel_loop3A_488 = arith.constant 0.000000e+00 : f32
        %parallel_loop3A_489 = vector.broadcast %parallel_loop3A_488 : f32 to vector<16xf32>
        %parallel_loop3A_490 = arith.subf %parallel_loop3A_489, %parallel_loop3A_487 : vector<16xf32>
        %parallel_loop3A_491 = math.exp %parallel_loop3A_490 : vector<16xf32>
        %parallel_loop3A_492 = arith.constant -0.0747361481 : f32
        %parallel_loop3A_493 = vector.broadcast %parallel_loop3A_492 : f32 to vector<16xf32>
        %parallel_loop3A_494 = arith.mulf %parallel_loop3A_493, %parallel_loop3A_491 : vector<16xf32>
        %parallel_loop3A_495 = arith.constant 0.254622221 : f32
        %parallel_loop3A_496 = vector.broadcast %parallel_loop3A_495 : f32 to vector<16xf32>
        %parallel_loop3A_497 = arith.addf %parallel_loop3A_494, %parallel_loop3A_496 : vector<16xf32>
        %parallel_loop3A_498 = arith.mulf %parallel_loop3A_497, %parallel_loop3A_491 : vector<16xf32>
        %parallel_loop3A_499 = arith.constant -0.486643046 : f32
        %parallel_loop3A_500 = vector.broadcast %parallel_loop3A_499 : f32 to vector<16xf32>
        %parallel_loop3A_501 = arith.addf %parallel_loop3A_498, %parallel_loop3A_500 : vector<16xf32>
        %parallel_loop3A_502 = arith.mulf %parallel_loop3A_501, %parallel_loop3A_491 : vector<16xf32>
        %parallel_loop3A_503 = arith.constant 0.999620378 : f32
        %parallel_loop3A_504 = vector.broadcast %parallel_loop3A_503 : f32 to vector<16xf32>
        %parallel_loop3A_505 = arith.addf %parallel_loop3A_502, %parallel_loop3A_504 : vector<16xf32>
        %parallel_loop3A_506 = arith.mulf %parallel_loop3A_491, %parallel_loop3A_505 : vector<16xf32>
        %parallel_loop3A_507 = arith.addf %parallel_loop3A_486, %parallel_loop3A_506 : vector<16xf32>
        %parallel_loop3A_508 = arith.addf %parallel_loop3A_126, %parallel_loop3A_507 : vector<16xf32>
        %parallel_loop3A_509 = arith.sitofp %parallel_loop3A_475 : vector<16xi32> to vector<16xf32>
        %parallel_loop3A_510 = arith.mulf %parallel_loop3A_509, %parallel_loop3A_507 : vector<16xf32>
        %parallel_loop3A_511 = arith.addf %parallel_loop3A_127, %parallel_loop3A_510 : vector<16xf32>
        scf.yield %parallel_loop3A_172, %parallel_loop3A_175, %parallel_loop3A_220, %parallel_loop3A_223, %parallel_loop3A_268, %parallel_loop3A_271, %parallel_loop3A_316, %parallel_loop3A_319, %parallel_loop3A_364, %parallel_loop3A_367, %parallel_loop3A_412, %parallel_loop3A_415, %parallel_loop3A_460, %parallel_loop3A_463, %parallel_loop3A_508, %parallel_loop3A_511 : vector<16xf32>, vector<16xf32>, vector<16xf32>, vector<16xf32>, vector<16xf32>, vector<16xf32>, vector<16xf32>, vector<16xf32>, vector<16xf32>, vector<16xf32>, vector<16xf32>, vector<16xf32>, vector<16xf32>, vector<16xf32>, vector<16xf32>, vector<16xf32>
      } {sc.loop_unroll_factor = 1 : i64, sc.parallel_access}
      %add3A_80 = arith.constant 2 : i32
      %add3A_81 = arith.addi %add3A_65, %add3A_80 : i32
      %add3A_82 = arith.constant 0 : i32
      %add3A_83 = arith.addi %add3A_81, %add3A_82 : i32
      %lt3A = arith.constant 8 : i32
      %lt3A_84 = arith.cmpi slt, %add3A_83, %lt3A : i32
      %convert_element_type3A = arith.extui %lt3A_84 : i1 to i32
      %cond3A = arith.constant 0 : i32
      %cond3A_85 = arith.cmpi ne, %convert_element_type3A, %cond3A : i32
      scf.if %cond3A_85 {
        %add3A_111 = arith.constant 2 : i32
        %add3A_112 = arith.addi %add3A_65, %add3A_111 : i32
        %add3A_113 = arith.constant 0 : i32
        %add3A_114 = arith.addi %add3A_112, %add3A_113 : i32
        %mul3A_115 = arith.constant 32768 : i32
        %mul3A_116 = arith.muli %add3A, %mul3A_115 : i32
        %mul3A_117 = arith.constant 4096 : i32
        %mul3A_118 = arith.muli %add3A_114, %mul3A_117 : i32
        %add3A_119 = arith.addi %mul3A_116, %mul3A_118 : i32
        %dma_start3A_120 = tpu.memref_slice %arg2[%add3A_119] : memref<1048576xf32, #tpu.memory_space<hbm>> -> memref<4096xf32, #tpu.memory_space<hbm>>
        %dma_start3A_121 = tpu.memref_slice %arg2[%add3A_119] : memref<1048576xf32, #tpu.memory_space<hbm>> -> memref<4096xf32, #tpu.memory_space<hbm>>
        tpu.enqueue_dma source(%dma_start3A_121 : memref<4096xf32, #tpu.memory_space<hbm>>) target(%arg6 : memref<4096xf32, #tpu.memory_space<vmem>>) target_semaphore(%arg13 : memref<!tpu.dma_semaphore, #tpu.memory_space<semaphore_mem>>)
        %dma_start3A_122 = tpu.memref_slice %arg3[%add3A_119] : memref<1048576xi32, #tpu.memory_space<hbm>> -> memref<4096xi32, #tpu.memory_space<hbm>>
        %dma_start3A_123 = tpu.memref_slice %arg3[%add3A_119] : memref<1048576xi32, #tpu.memory_space<hbm>> -> memref<4096xi32, #tpu.memory_space<hbm>>
        tpu.enqueue_dma source(%dma_start3A_123 : memref<4096xi32, #tpu.memory_space<hbm>>) target(%arg7 : memref<4096xi32, #tpu.memory_space<vmem>>) target_semaphore(%arg13 : memref<!tpu.dma_semaphore, #tpu.memory_space<semaphore_mem>>)
        %dma_start3A_124 = tpu.memref_slice %arg4[%add3A_119] : memref<1048576xi32, #tpu.memory_space<hbm>> -> memref<4096xi32, #tpu.memory_space<hbm>>
        %dma_start3A_125 = tpu.memref_slice %arg4[%add3A_119] : memref<1048576xi32, #tpu.memory_space<hbm>> -> memref<4096xi32, #tpu.memory_space<hbm>>
        tpu.enqueue_dma source(%dma_start3A_125 : memref<4096xi32, #tpu.memory_space<hbm>>) target(%arg8 : memref<4096xi32, #tpu.memory_space<vmem>>) target_semaphore(%arg13 : memref<!tpu.dma_semaphore, #tpu.memory_space<semaphore_mem>>)
      } else {
      }
      %dma_wait3A_86 = arith.constant 0 : i32
      %dma_wait3A_87 = tpu.memref_slice %arg2[%dma_wait3A_86] : memref<1048576xf32, #tpu.memory_space<hbm>> -> memref<4096xf32, #tpu.memory_space<hbm>>
      %dma_wait3A_88 = arith.constant 0 : i32
      %dma_wait3A_89 = tpu.memref_slice %arg2[%dma_wait3A_88] : memref<1048576xf32, #tpu.memory_space<hbm>> -> memref<4096xf32, #tpu.memory_space<hbm>>
      tpu.wait_dma2 semaphore(%arg14 : memref<!tpu.dma_semaphore, #tpu.memory_space<semaphore_mem>>) src(%dma_wait3A_89 : memref<4096xf32, #tpu.memory_space<hbm>>) dst(%arg9 : memref<4096xf32, #tpu.memory_space<vmem>>)
      %dma_wait3A_90 = arith.constant 0 : i32
      %dma_wait3A_91 = tpu.memref_slice %arg3[%dma_wait3A_90] : memref<1048576xi32, #tpu.memory_space<hbm>> -> memref<4096xi32, #tpu.memory_space<hbm>>
      %dma_wait3A_92 = arith.constant 0 : i32
      %dma_wait3A_93 = tpu.memref_slice %arg3[%dma_wait3A_92] : memref<1048576xi32, #tpu.memory_space<hbm>> -> memref<4096xi32, #tpu.memory_space<hbm>>
      tpu.wait_dma2 semaphore(%arg14 : memref<!tpu.dma_semaphore, #tpu.memory_space<semaphore_mem>>) src(%dma_wait3A_93 : memref<4096xi32, #tpu.memory_space<hbm>>) dst(%arg10 : memref<4096xi32, #tpu.memory_space<vmem>>)
      %dma_wait3A_94 = arith.constant 0 : i32
      %dma_wait3A_95 = tpu.memref_slice %arg4[%dma_wait3A_94] : memref<1048576xi32, #tpu.memory_space<hbm>> -> memref<4096xi32, #tpu.memory_space<hbm>>
      %dma_wait3A_96 = arith.constant 0 : i32
      %dma_wait3A_97 = tpu.memref_slice %arg4[%dma_wait3A_96] : memref<1048576xi32, #tpu.memory_space<hbm>> -> memref<4096xi32, #tpu.memory_space<hbm>>
      tpu.wait_dma2 semaphore(%arg14 : memref<!tpu.dma_semaphore, #tpu.memory_space<semaphore_mem>>) src(%dma_wait3A_97 : memref<4096xi32, #tpu.memory_space<hbm>>) dst(%arg11 : memref<4096xi32, #tpu.memory_space<vmem>>)
      %parallel_loop3A_98 = arith.constant 0 : i32
      %parallel_loop3A_99 = arith.constant 32 : i32
      %parallel_loop3A_100 = arith.constant 1 : i32
      %parallel_loop3A_101:16 = scf.for %parallel_loop3A_111 = %parallel_loop3A_98 to %parallel_loop3A_99 step %parallel_loop3A_100 iter_args(%parallel_loop3A_112 = %parallel_loop3A_79#0, %parallel_loop3A_113 = %parallel_loop3A_79#1, %parallel_loop3A_114 = %parallel_loop3A_79#2, %parallel_loop3A_115 = %parallel_loop3A_79#3, %parallel_loop3A_116 = %parallel_loop3A_79#4, %parallel_loop3A_117 = %parallel_loop3A_79#5, %parallel_loop3A_118 = %parallel_loop3A_79#6, %parallel_loop3A_119 = %parallel_loop3A_79#7, %parallel_loop3A_120 = %parallel_loop3A_79#8, %parallel_loop3A_121 = %parallel_loop3A_79#9, %parallel_loop3A_122 = %parallel_loop3A_79#10, %parallel_loop3A_123 = %parallel_loop3A_79#11, %parallel_loop3A_124 = %parallel_loop3A_79#12, %parallel_loop3A_125 = %parallel_loop3A_79#13, %parallel_loop3A_126 = %parallel_loop3A_79#14, %parallel_loop3A_127 = %parallel_loop3A_79#15) -> (vector<16xf32>, vector<16xf32>, vector<16xf32>, vector<16xf32>, vector<16xf32>, vector<16xf32>, vector<16xf32>, vector<16xf32>, vector<16xf32>, vector<16xf32>, vector<16xf32>, vector<16xf32>, vector<16xf32>, vector<16xf32>, vector<16xf32>, vector<16xf32>)  : i32 {
        %parallel_loop3A_128 = arith.constant 8 : i32
        %parallel_loop3A_129 = arith.muli %parallel_loop3A_111, %parallel_loop3A_128 : i32
        %parallel_loop3A_130 = arith.constant 0 : i32
        %parallel_loop3A_131 = arith.addi %parallel_loop3A_129, %parallel_loop3A_130 : i32
        %parallel_loop3A_132 = arith.constant 16 : i32
        %parallel_loop3A_133 = arith.muli %parallel_loop3A_131, %parallel_loop3A_132 : i32
        %parallel_loop3A_134 = arith.index_cast %parallel_loop3A_133 : i32 to index
        %parallel_loop3A_135 = tpu.vector_load %arg9[%parallel_loop3A_134] {strides = array<i32>} : memref<4096xf32, #tpu.memory_space<vmem>>, vector<16xf32>,
        %parallel_loop3A_136 = arith.index_cast %parallel_loop3A_133 : i32 to index
        %parallel_loop3A_137 = tpu.vector_load %arg10[%parallel_loop3A_136] {strides = array<i32>} : memref<4096xi32, #tpu.memory_space<vmem>>, vector<16xi32>,
        %parallel_loop3A_138 = arith.index_cast %parallel_loop3A_133 : i32 to index
        %parallel_loop3A_139 = tpu.vector_load %arg11[%parallel_loop3A_138] {strides = array<i32>} : memref<4096xi32, #tpu.memory_space<vmem>>, vector<16xi32>,
        %parallel_loop3A_140 = arith.constant 2 : i32
        %parallel_loop3A_141 = vector.broadcast %parallel_loop3A_140 : i32 to vector<16xi32>
        %parallel_loop3A_142 = arith.muli %parallel_loop3A_141, %parallel_loop3A_137 : vector<16xi32>
        %parallel_loop3A_143 = arith.constant 1 : i32
        %parallel_loop3A_144 = vector.broadcast %parallel_loop3A_143 : i32 to vector<16xi32>
        %parallel_loop3A_145 = arith.subi %parallel_loop3A_144, %parallel_loop3A_142 : vector<16xi32>
        %parallel_loop3A_146 = arith.sitofp %parallel_loop3A_145 : vector<16xi32> to vector<16xf32>
        %parallel_loop3A_147 = arith.mulf %parallel_loop3A_146, %parallel_loop3A_135 : vector<16xf32>
        %parallel_loop3A_148 = arith.constant 0.000000e+00 : f32
        %parallel_loop3A_149 = vector.broadcast %parallel_loop3A_148 : f32 to vector<16xf32>
        %parallel_loop3A_150 = arith.maximumf %parallel_loop3A_147, %parallel_loop3A_149 : vector<16xf32>
        %parallel_loop3A_151 = math.absf %parallel_loop3A_135 : vector<16xf32>
        %parallel_loop3A_152 = arith.constant 0.000000e+00 : f32
        %parallel_loop3A_153 = vector.broadcast %parallel_loop3A_152 : f32 to vector<16xf32>
        %parallel_loop3A_154 = arith.subf %parallel_loop3A_153, %parallel_loop3A_151 : vector<16xf32>
        %parallel_loop3A_155 = math.exp %parallel_loop3A_154 : vector<16xf32>
        %parallel_loop3A_156 = arith.constant -0.0747361481 : f32
        %parallel_loop3A_157 = vector.broadcast %parallel_loop3A_156 : f32 to vector<16xf32>
        %parallel_loop3A_158 = arith.mulf %parallel_loop3A_157, %parallel_loop3A_155 : vector<16xf32>
        %parallel_loop3A_159 = arith.constant 0.254622221 : f32
        %parallel_loop3A_160 = vector.broadcast %parallel_loop3A_159 : f32 to vector<16xf32>
        %parallel_loop3A_161 = arith.addf %parallel_loop3A_158, %parallel_loop3A_160 : vector<16xf32>
        %parallel_loop3A_162 = arith.mulf %parallel_loop3A_161, %parallel_loop3A_155 : vector<16xf32>
        %parallel_loop3A_163 = arith.constant -0.486643046 : f32
        %parallel_loop3A_164 = vector.broadcast %parallel_loop3A_163 : f32 to vector<16xf32>
        %parallel_loop3A_165 = arith.addf %parallel_loop3A_162, %parallel_loop3A_164 : vector<16xf32>
        %parallel_loop3A_166 = arith.mulf %parallel_loop3A_165, %parallel_loop3A_155 : vector<16xf32>
        %parallel_loop3A_167 = arith.constant 0.999620378 : f32
        %parallel_loop3A_168 = vector.broadcast %parallel_loop3A_167 : f32 to vector<16xf32>
        %parallel_loop3A_169 = arith.addf %parallel_loop3A_166, %parallel_loop3A_168 : vector<16xf32>
        %parallel_loop3A_170 = arith.mulf %parallel_loop3A_155, %parallel_loop3A_169 : vector<16xf32>
        %parallel_loop3A_171 = arith.addf %parallel_loop3A_150, %parallel_loop3A_170 : vector<16xf32>
        %parallel_loop3A_172 = arith.addf %parallel_loop3A_112, %parallel_loop3A_171 : vector<16xf32>
        %parallel_loop3A_173 = arith.sitofp %parallel_loop3A_139 : vector<16xi32> to vector<16xf32>
        %parallel_loop3A_174 = arith.mulf %parallel_loop3A_173, %parallel_loop3A_171 : vector<16xf32>
        %parallel_loop3A_175 = arith.addf %parallel_loop3A_113, %parallel_loop3A_174 : vector<16xf32>
        %parallel_loop3A_176 = arith.constant 8 : i32
        %parallel_loop3A_177 = arith.muli %parallel_loop3A_111, %parallel_loop3A_176 : i32
        %parallel_loop3A_178 = arith.constant 1 : i32
        %parallel_loop3A_179 = arith.addi %parallel_loop3A_177, %parallel_loop3A_178 : i32
        %parallel_loop3A_180 = arith.constant 16 : i32
        %parallel_loop3A_181 = arith.muli %parallel_loop3A_179, %parallel_loop3A_180 : i32
        %parallel_loop3A_182 = arith.index_cast %parallel_loop3A_181 : i32 to index
        %parallel_loop3A_183 = tpu.vector_load %arg9[%parallel_loop3A_182] {strides = array<i32>} : memref<4096xf32, #tpu.memory_space<vmem>>, vector<16xf32>,
        %parallel_loop3A_184 = arith.index_cast %parallel_loop3A_181 : i32 to index
        %parallel_loop3A_185 = tpu.vector_load %arg10[%parallel_loop3A_184] {strides = array<i32>} : memref<4096xi32, #tpu.memory_space<vmem>>, vector<16xi32>,
        %parallel_loop3A_186 = arith.index_cast %parallel_loop3A_181 : i32 to index
        %parallel_loop3A_187 = tpu.vector_load %arg11[%parallel_loop3A_186] {strides = array<i32>} : memref<4096xi32, #tpu.memory_space<vmem>>, vector<16xi32>,
        %parallel_loop3A_188 = arith.constant 2 : i32
        %parallel_loop3A_189 = vector.broadcast %parallel_loop3A_188 : i32 to vector<16xi32>
        %parallel_loop3A_190 = arith.muli %parallel_loop3A_189, %parallel_loop3A_185 : vector<16xi32>
        %parallel_loop3A_191 = arith.constant 1 : i32
        %parallel_loop3A_192 = vector.broadcast %parallel_loop3A_191 : i32 to vector<16xi32>
        %parallel_loop3A_193 = arith.subi %parallel_loop3A_192, %parallel_loop3A_190 : vector<16xi32>
        %parallel_loop3A_194 = arith.sitofp %parallel_loop3A_193 : vector<16xi32> to vector<16xf32>
        %parallel_loop3A_195 = arith.mulf %parallel_loop3A_194, %parallel_loop3A_183 : vector<16xf32>
        %parallel_loop3A_196 = arith.constant 0.000000e+00 : f32
        %parallel_loop3A_197 = vector.broadcast %parallel_loop3A_196 : f32 to vector<16xf32>
        %parallel_loop3A_198 = arith.maximumf %parallel_loop3A_195, %parallel_loop3A_197 : vector<16xf32>
        %parallel_loop3A_199 = math.absf %parallel_loop3A_183 : vector<16xf32>
        %parallel_loop3A_200 = arith.constant 0.000000e+00 : f32
        %parallel_loop3A_201 = vector.broadcast %parallel_loop3A_200 : f32 to vector<16xf32>
        %parallel_loop3A_202 = arith.subf %parallel_loop3A_201, %parallel_loop3A_199 : vector<16xf32>
        %parallel_loop3A_203 = math.exp %parallel_loop3A_202 : vector<16xf32>
        %parallel_loop3A_204 = arith.constant -0.0747361481 : f32
        %parallel_loop3A_205 = vector.broadcast %parallel_loop3A_204 : f32 to vector<16xf32>
        %parallel_loop3A_206 = arith.mulf %parallel_loop3A_205, %parallel_loop3A_203 : vector<16xf32>
        %parallel_loop3A_207 = arith.constant 0.254622221 : f32
        %parallel_loop3A_208 = vector.broadcast %parallel_loop3A_207 : f32 to vector<16xf32>
        %parallel_loop3A_209 = arith.addf %parallel_loop3A_206, %parallel_loop3A_208 : vector<16xf32>
        %parallel_loop3A_210 = arith.mulf %parallel_loop3A_209, %parallel_loop3A_203 : vector<16xf32>
        %parallel_loop3A_211 = arith.constant -0.486643046 : f32
        %parallel_loop3A_212 = vector.broadcast %parallel_loop3A_211 : f32 to vector<16xf32>
        %parallel_loop3A_213 = arith.addf %parallel_loop3A_210, %parallel_loop3A_212 : vector<16xf32>
        %parallel_loop3A_214 = arith.mulf %parallel_loop3A_213, %parallel_loop3A_203 : vector<16xf32>
        %parallel_loop3A_215 = arith.constant 0.999620378 : f32
        %parallel_loop3A_216 = vector.broadcast %parallel_loop3A_215 : f32 to vector<16xf32>
        %parallel_loop3A_217 = arith.addf %parallel_loop3A_214, %parallel_loop3A_216 : vector<16xf32>
        %parallel_loop3A_218 = arith.mulf %parallel_loop3A_203, %parallel_loop3A_217 : vector<16xf32>
        %parallel_loop3A_219 = arith.addf %parallel_loop3A_198, %parallel_loop3A_218 : vector<16xf32>
        %parallel_loop3A_220 = arith.addf %parallel_loop3A_114, %parallel_loop3A_219 : vector<16xf32>
        %parallel_loop3A_221 = arith.sitofp %parallel_loop3A_187 : vector<16xi32> to vector<16xf32>
        %parallel_loop3A_222 = arith.mulf %parallel_loop3A_221, %parallel_loop3A_219 : vector<16xf32>
        %parallel_loop3A_223 = arith.addf %parallel_loop3A_115, %parallel_loop3A_222 : vector<16xf32>
        %parallel_loop3A_224 = arith.constant 8 : i32
        %parallel_loop3A_225 = arith.muli %parallel_loop3A_111, %parallel_loop3A_224 : i32
        %parallel_loop3A_226 = arith.constant 2 : i32
        %parallel_loop3A_227 = arith.addi %parallel_loop3A_225, %parallel_loop3A_226 : i32
        %parallel_loop3A_228 = arith.constant 16 : i32
        %parallel_loop3A_229 = arith.muli %parallel_loop3A_227, %parallel_loop3A_228 : i32
        %parallel_loop3A_230 = arith.index_cast %parallel_loop3A_229 : i32 to index
        %parallel_loop3A_231 = tpu.vector_load %arg9[%parallel_loop3A_230] {strides = array<i32>} : memref<4096xf32, #tpu.memory_space<vmem>>, vector<16xf32>,
        %parallel_loop3A_232 = arith.index_cast %parallel_loop3A_229 : i32 to index
        %parallel_loop3A_233 = tpu.vector_load %arg10[%parallel_loop3A_232] {strides = array<i32>} : memref<4096xi32, #tpu.memory_space<vmem>>, vector<16xi32>,
        %parallel_loop3A_234 = arith.index_cast %parallel_loop3A_229 : i32 to index
        %parallel_loop3A_235 = tpu.vector_load %arg11[%parallel_loop3A_234] {strides = array<i32>} : memref<4096xi32, #tpu.memory_space<vmem>>, vector<16xi32>,
        %parallel_loop3A_236 = arith.constant 2 : i32
        %parallel_loop3A_237 = vector.broadcast %parallel_loop3A_236 : i32 to vector<16xi32>
        %parallel_loop3A_238 = arith.muli %parallel_loop3A_237, %parallel_loop3A_233 : vector<16xi32>
        %parallel_loop3A_239 = arith.constant 1 : i32
        %parallel_loop3A_240 = vector.broadcast %parallel_loop3A_239 : i32 to vector<16xi32>
        %parallel_loop3A_241 = arith.subi %parallel_loop3A_240, %parallel_loop3A_238 : vector<16xi32>
        %parallel_loop3A_242 = arith.sitofp %parallel_loop3A_241 : vector<16xi32> to vector<16xf32>
        %parallel_loop3A_243 = arith.mulf %parallel_loop3A_242, %parallel_loop3A_231 : vector<16xf32>
        %parallel_loop3A_244 = arith.constant 0.000000e+00 : f32
        %parallel_loop3A_245 = vector.broadcast %parallel_loop3A_244 : f32 to vector<16xf32>
        %parallel_loop3A_246 = arith.maximumf %parallel_loop3A_243, %parallel_loop3A_245 : vector<16xf32>
        %parallel_loop3A_247 = math.absf %parallel_loop3A_231 : vector<16xf32>
        %parallel_loop3A_248 = arith.constant 0.000000e+00 : f32
        %parallel_loop3A_249 = vector.broadcast %parallel_loop3A_248 : f32 to vector<16xf32>
        %parallel_loop3A_250 = arith.subf %parallel_loop3A_249, %parallel_loop3A_247 : vector<16xf32>
        %parallel_loop3A_251 = math.exp %parallel_loop3A_250 : vector<16xf32>
        %parallel_loop3A_252 = arith.constant -0.0747361481 : f32
        %parallel_loop3A_253 = vector.broadcast %parallel_loop3A_252 : f32 to vector<16xf32>
        %parallel_loop3A_254 = arith.mulf %parallel_loop3A_253, %parallel_loop3A_251 : vector<16xf32>
        %parallel_loop3A_255 = arith.constant 0.254622221 : f32
        %parallel_loop3A_256 = vector.broadcast %parallel_loop3A_255 : f32 to vector<16xf32>
        %parallel_loop3A_257 = arith.addf %parallel_loop3A_254, %parallel_loop3A_256 : vector<16xf32>
        %parallel_loop3A_258 = arith.mulf %parallel_loop3A_257, %parallel_loop3A_251 : vector<16xf32>
        %parallel_loop3A_259 = arith.constant -0.486643046 : f32
        %parallel_loop3A_260 = vector.broadcast %parallel_loop3A_259 : f32 to vector<16xf32>
        %parallel_loop3A_261 = arith.addf %parallel_loop3A_258, %parallel_loop3A_260 : vector<16xf32>
        %parallel_loop3A_262 = arith.mulf %parallel_loop3A_261, %parallel_loop3A_251 : vector<16xf32>
        %parallel_loop3A_263 = arith.constant 0.999620378 : f32
        %parallel_loop3A_264 = vector.broadcast %parallel_loop3A_263 : f32 to vector<16xf32>
        %parallel_loop3A_265 = arith.addf %parallel_loop3A_262, %parallel_loop3A_264 : vector<16xf32>
        %parallel_loop3A_266 = arith.mulf %parallel_loop3A_251, %parallel_loop3A_265 : vector<16xf32>
        %parallel_loop3A_267 = arith.addf %parallel_loop3A_246, %parallel_loop3A_266 : vector<16xf32>
        %parallel_loop3A_268 = arith.addf %parallel_loop3A_116, %parallel_loop3A_267 : vector<16xf32>
        %parallel_loop3A_269 = arith.sitofp %parallel_loop3A_235 : vector<16xi32> to vector<16xf32>
        %parallel_loop3A_270 = arith.mulf %parallel_loop3A_269, %parallel_loop3A_267 : vector<16xf32>
        %parallel_loop3A_271 = arith.addf %parallel_loop3A_117, %parallel_loop3A_270 : vector<16xf32>
        %parallel_loop3A_272 = arith.constant 8 : i32
        %parallel_loop3A_273 = arith.muli %parallel_loop3A_111, %parallel_loop3A_272 : i32
        %parallel_loop3A_274 = arith.constant 3 : i32
        %parallel_loop3A_275 = arith.addi %parallel_loop3A_273, %parallel_loop3A_274 : i32
        %parallel_loop3A_276 = arith.constant 16 : i32
        %parallel_loop3A_277 = arith.muli %parallel_loop3A_275, %parallel_loop3A_276 : i32
        %parallel_loop3A_278 = arith.index_cast %parallel_loop3A_277 : i32 to index
        %parallel_loop3A_279 = tpu.vector_load %arg9[%parallel_loop3A_278] {strides = array<i32>} : memref<4096xf32, #tpu.memory_space<vmem>>, vector<16xf32>,
        %parallel_loop3A_280 = arith.index_cast %parallel_loop3A_277 : i32 to index
        %parallel_loop3A_281 = tpu.vector_load %arg10[%parallel_loop3A_280] {strides = array<i32>} : memref<4096xi32, #tpu.memory_space<vmem>>, vector<16xi32>,
        %parallel_loop3A_282 = arith.index_cast %parallel_loop3A_277 : i32 to index
        %parallel_loop3A_283 = tpu.vector_load %arg11[%parallel_loop3A_282] {strides = array<i32>} : memref<4096xi32, #tpu.memory_space<vmem>>, vector<16xi32>,
        %parallel_loop3A_284 = arith.constant 2 : i32
        %parallel_loop3A_285 = vector.broadcast %parallel_loop3A_284 : i32 to vector<16xi32>
        %parallel_loop3A_286 = arith.muli %parallel_loop3A_285, %parallel_loop3A_281 : vector<16xi32>
        %parallel_loop3A_287 = arith.constant 1 : i32
        %parallel_loop3A_288 = vector.broadcast %parallel_loop3A_287 : i32 to vector<16xi32>
        %parallel_loop3A_289 = arith.subi %parallel_loop3A_288, %parallel_loop3A_286 : vector<16xi32>
        %parallel_loop3A_290 = arith.sitofp %parallel_loop3A_289 : vector<16xi32> to vector<16xf32>
        %parallel_loop3A_291 = arith.mulf %parallel_loop3A_290, %parallel_loop3A_279 : vector<16xf32>
        %parallel_loop3A_292 = arith.constant 0.000000e+00 : f32
        %parallel_loop3A_293 = vector.broadcast %parallel_loop3A_292 : f32 to vector<16xf32>
        %parallel_loop3A_294 = arith.maximumf %parallel_loop3A_291, %parallel_loop3A_293 : vector<16xf32>
        %parallel_loop3A_295 = math.absf %parallel_loop3A_279 : vector<16xf32>
        %parallel_loop3A_296 = arith.constant 0.000000e+00 : f32
        %parallel_loop3A_297 = vector.broadcast %parallel_loop3A_296 : f32 to vector<16xf32>
        %parallel_loop3A_298 = arith.subf %parallel_loop3A_297, %parallel_loop3A_295 : vector<16xf32>
        %parallel_loop3A_299 = math.exp %parallel_loop3A_298 : vector<16xf32>
        %parallel_loop3A_300 = arith.constant -0.0747361481 : f32
        %parallel_loop3A_301 = vector.broadcast %parallel_loop3A_300 : f32 to vector<16xf32>
        %parallel_loop3A_302 = arith.mulf %parallel_loop3A_301, %parallel_loop3A_299 : vector<16xf32>
        %parallel_loop3A_303 = arith.constant 0.254622221 : f32
        %parallel_loop3A_304 = vector.broadcast %parallel_loop3A_303 : f32 to vector<16xf32>
        %parallel_loop3A_305 = arith.addf %parallel_loop3A_302, %parallel_loop3A_304 : vector<16xf32>
        %parallel_loop3A_306 = arith.mulf %parallel_loop3A_305, %parallel_loop3A_299 : vector<16xf32>
        %parallel_loop3A_307 = arith.constant -0.486643046 : f32
        %parallel_loop3A_308 = vector.broadcast %parallel_loop3A_307 : f32 to vector<16xf32>
        %parallel_loop3A_309 = arith.addf %parallel_loop3A_306, %parallel_loop3A_308 : vector<16xf32>
        %parallel_loop3A_310 = arith.mulf %parallel_loop3A_309, %parallel_loop3A_299 : vector<16xf32>
        %parallel_loop3A_311 = arith.constant 0.999620378 : f32
        %parallel_loop3A_312 = vector.broadcast %parallel_loop3A_311 : f32 to vector<16xf32>
        %parallel_loop3A_313 = arith.addf %parallel_loop3A_310, %parallel_loop3A_312 : vector<16xf32>
        %parallel_loop3A_314 = arith.mulf %parallel_loop3A_299, %parallel_loop3A_313 : vector<16xf32>
        %parallel_loop3A_315 = arith.addf %parallel_loop3A_294, %parallel_loop3A_314 : vector<16xf32>
        %parallel_loop3A_316 = arith.addf %parallel_loop3A_118, %parallel_loop3A_315 : vector<16xf32>
        %parallel_loop3A_317 = arith.sitofp %parallel_loop3A_283 : vector<16xi32> to vector<16xf32>
        %parallel_loop3A_318 = arith.mulf %parallel_loop3A_317, %parallel_loop3A_315 : vector<16xf32>
        %parallel_loop3A_319 = arith.addf %parallel_loop3A_119, %parallel_loop3A_318 : vector<16xf32>
        %parallel_loop3A_320 = arith.constant 8 : i32
        %parallel_loop3A_321 = arith.muli %parallel_loop3A_111, %parallel_loop3A_320 : i32
        %parallel_loop3A_322 = arith.constant 4 : i32
        %parallel_loop3A_323 = arith.addi %parallel_loop3A_321, %parallel_loop3A_322 : i32
        %parallel_loop3A_324 = arith.constant 16 : i32
        %parallel_loop3A_325 = arith.muli %parallel_loop3A_323, %parallel_loop3A_324 : i32
        %parallel_loop3A_326 = arith.index_cast %parallel_loop3A_325 : i32 to index
        %parallel_loop3A_327 = tpu.vector_load %arg9[%parallel_loop3A_326] {strides = array<i32>} : memref<4096xf32, #tpu.memory_space<vmem>>, vector<16xf32>,
        %parallel_loop3A_328 = arith.index_cast %parallel_loop3A_325 : i32 to index
        %parallel_loop3A_329 = tpu.vector_load %arg10[%parallel_loop3A_328] {strides = array<i32>} : memref<4096xi32, #tpu.memory_space<vmem>>, vector<16xi32>,
        %parallel_loop3A_330 = arith.index_cast %parallel_loop3A_325 : i32 to index
        %parallel_loop3A_331 = tpu.vector_load %arg11[%parallel_loop3A_330] {strides = array<i32>} : memref<4096xi32, #tpu.memory_space<vmem>>, vector<16xi32>,
        %parallel_loop3A_332 = arith.constant 2 : i32
        %parallel_loop3A_333 = vector.broadcast %parallel_loop3A_332 : i32 to vector<16xi32>
        %parallel_loop3A_334 = arith.muli %parallel_loop3A_333, %parallel_loop3A_329 : vector<16xi32>
        %parallel_loop3A_335 = arith.constant 1 : i32
        %parallel_loop3A_336 = vector.broadcast %parallel_loop3A_335 : i32 to vector<16xi32>
        %parallel_loop3A_337 = arith.subi %parallel_loop3A_336, %parallel_loop3A_334 : vector<16xi32>
        %parallel_loop3A_338 = arith.sitofp %parallel_loop3A_337 : vector<16xi32> to vector<16xf32>
        %parallel_loop3A_339 = arith.mulf %parallel_loop3A_338, %parallel_loop3A_327 : vector<16xf32>
        %parallel_loop3A_340 = arith.constant 0.000000e+00 : f32
        %parallel_loop3A_341 = vector.broadcast %parallel_loop3A_340 : f32 to vector<16xf32>
        %parallel_loop3A_342 = arith.maximumf %parallel_loop3A_339, %parallel_loop3A_341 : vector<16xf32>
        %parallel_loop3A_343 = math.absf %parallel_loop3A_327 : vector<16xf32>
        %parallel_loop3A_344 = arith.constant 0.000000e+00 : f32
        %parallel_loop3A_345 = vector.broadcast %parallel_loop3A_344 : f32 to vector<16xf32>
        %parallel_loop3A_346 = arith.subf %parallel_loop3A_345, %parallel_loop3A_343 : vector<16xf32>
        %parallel_loop3A_347 = math.exp %parallel_loop3A_346 : vector<16xf32>
        %parallel_loop3A_348 = arith.constant -0.0747361481 : f32
        %parallel_loop3A_349 = vector.broadcast %parallel_loop3A_348 : f32 to vector<16xf32>
        %parallel_loop3A_350 = arith.mulf %parallel_loop3A_349, %parallel_loop3A_347 : vector<16xf32>
        %parallel_loop3A_351 = arith.constant 0.254622221 : f32
        %parallel_loop3A_352 = vector.broadcast %parallel_loop3A_351 : f32 to vector<16xf32>
        %parallel_loop3A_353 = arith.addf %parallel_loop3A_350, %parallel_loop3A_352 : vector<16xf32>
        %parallel_loop3A_354 = arith.mulf %parallel_loop3A_353, %parallel_loop3A_347 : vector<16xf32>
        %parallel_loop3A_355 = arith.constant -0.486643046 : f32
        %parallel_loop3A_356 = vector.broadcast %parallel_loop3A_355 : f32 to vector<16xf32>
        %parallel_loop3A_357 = arith.addf %parallel_loop3A_354, %parallel_loop3A_356 : vector<16xf32>
        %parallel_loop3A_358 = arith.mulf %parallel_loop3A_357, %parallel_loop3A_347 : vector<16xf32>
        %parallel_loop3A_359 = arith.constant 0.999620378 : f32
        %parallel_loop3A_360 = vector.broadcast %parallel_loop3A_359 : f32 to vector<16xf32>
        %parallel_loop3A_361 = arith.addf %parallel_loop3A_358, %parallel_loop3A_360 : vector<16xf32>
        %parallel_loop3A_362 = arith.mulf %parallel_loop3A_347, %parallel_loop3A_361 : vector<16xf32>
        %parallel_loop3A_363 = arith.addf %parallel_loop3A_342, %parallel_loop3A_362 : vector<16xf32>
        %parallel_loop3A_364 = arith.addf %parallel_loop3A_120, %parallel_loop3A_363 : vector<16xf32>
        %parallel_loop3A_365 = arith.sitofp %parallel_loop3A_331 : vector<16xi32> to vector<16xf32>
        %parallel_loop3A_366 = arith.mulf %parallel_loop3A_365, %parallel_loop3A_363 : vector<16xf32>
        %parallel_loop3A_367 = arith.addf %parallel_loop3A_121, %parallel_loop3A_366 : vector<16xf32>
        %parallel_loop3A_368 = arith.constant 8 : i32
        %parallel_loop3A_369 = arith.muli %parallel_loop3A_111, %parallel_loop3A_368 : i32
        %parallel_loop3A_370 = arith.constant 5 : i32
        %parallel_loop3A_371 = arith.addi %parallel_loop3A_369, %parallel_loop3A_370 : i32
        %parallel_loop3A_372 = arith.constant 16 : i32
        %parallel_loop3A_373 = arith.muli %parallel_loop3A_371, %parallel_loop3A_372 : i32
        %parallel_loop3A_374 = arith.index_cast %parallel_loop3A_373 : i32 to index
        %parallel_loop3A_375 = tpu.vector_load %arg9[%parallel_loop3A_374] {strides = array<i32>} : memref<4096xf32, #tpu.memory_space<vmem>>, vector<16xf32>,
        %parallel_loop3A_376 = arith.index_cast %parallel_loop3A_373 : i32 to index
        %parallel_loop3A_377 = tpu.vector_load %arg10[%parallel_loop3A_376] {strides = array<i32>} : memref<4096xi32, #tpu.memory_space<vmem>>, vector<16xi32>,
        %parallel_loop3A_378 = arith.index_cast %parallel_loop3A_373 : i32 to index
        %parallel_loop3A_379 = tpu.vector_load %arg11[%parallel_loop3A_378] {strides = array<i32>} : memref<4096xi32, #tpu.memory_space<vmem>>, vector<16xi32>,
        %parallel_loop3A_380 = arith.constant 2 : i32
        %parallel_loop3A_381 = vector.broadcast %parallel_loop3A_380 : i32 to vector<16xi32>
        %parallel_loop3A_382 = arith.muli %parallel_loop3A_381, %parallel_loop3A_377 : vector<16xi32>
        %parallel_loop3A_383 = arith.constant 1 : i32
        %parallel_loop3A_384 = vector.broadcast %parallel_loop3A_383 : i32 to vector<16xi32>
        %parallel_loop3A_385 = arith.subi %parallel_loop3A_384, %parallel_loop3A_382 : vector<16xi32>
        %parallel_loop3A_386 = arith.sitofp %parallel_loop3A_385 : vector<16xi32> to vector<16xf32>
        %parallel_loop3A_387 = arith.mulf %parallel_loop3A_386, %parallel_loop3A_375 : vector<16xf32>
        %parallel_loop3A_388 = arith.constant 0.000000e+00 : f32
        %parallel_loop3A_389 = vector.broadcast %parallel_loop3A_388 : f32 to vector<16xf32>
        %parallel_loop3A_390 = arith.maximumf %parallel_loop3A_387, %parallel_loop3A_389 : vector<16xf32>
        %parallel_loop3A_391 = math.absf %parallel_loop3A_375 : vector<16xf32>
        %parallel_loop3A_392 = arith.constant 0.000000e+00 : f32
        %parallel_loop3A_393 = vector.broadcast %parallel_loop3A_392 : f32 to vector<16xf32>
        %parallel_loop3A_394 = arith.subf %parallel_loop3A_393, %parallel_loop3A_391 : vector<16xf32>
        %parallel_loop3A_395 = math.exp %parallel_loop3A_394 : vector<16xf32>
        %parallel_loop3A_396 = arith.constant -0.0747361481 : f32
        %parallel_loop3A_397 = vector.broadcast %parallel_loop3A_396 : f32 to vector<16xf32>
        %parallel_loop3A_398 = arith.mulf %parallel_loop3A_397, %parallel_loop3A_395 : vector<16xf32>
        %parallel_loop3A_399 = arith.constant 0.254622221 : f32
        %parallel_loop3A_400 = vector.broadcast %parallel_loop3A_399 : f32 to vector<16xf32>
        %parallel_loop3A_401 = arith.addf %parallel_loop3A_398, %parallel_loop3A_400 : vector<16xf32>
        %parallel_loop3A_402 = arith.mulf %parallel_loop3A_401, %parallel_loop3A_395 : vector<16xf32>
        %parallel_loop3A_403 = arith.constant -0.486643046 : f32
        %parallel_loop3A_404 = vector.broadcast %parallel_loop3A_403 : f32 to vector<16xf32>
        %parallel_loop3A_405 = arith.addf %parallel_loop3A_402, %parallel_loop3A_404 : vector<16xf32>
        %parallel_loop3A_406 = arith.mulf %parallel_loop3A_405, %parallel_loop3A_395 : vector<16xf32>
        %parallel_loop3A_407 = arith.constant 0.999620378 : f32
        %parallel_loop3A_408 = vector.broadcast %parallel_loop3A_407 : f32 to vector<16xf32>
        %parallel_loop3A_409 = arith.addf %parallel_loop3A_406, %parallel_loop3A_408 : vector<16xf32>
        %parallel_loop3A_410 = arith.mulf %parallel_loop3A_395, %parallel_loop3A_409 : vector<16xf32>
        %parallel_loop3A_411 = arith.addf %parallel_loop3A_390, %parallel_loop3A_410 : vector<16xf32>
        %parallel_loop3A_412 = arith.addf %parallel_loop3A_122, %parallel_loop3A_411 : vector<16xf32>
        %parallel_loop3A_413 = arith.sitofp %parallel_loop3A_379 : vector<16xi32> to vector<16xf32>
        %parallel_loop3A_414 = arith.mulf %parallel_loop3A_413, %parallel_loop3A_411 : vector<16xf32>
        %parallel_loop3A_415 = arith.addf %parallel_loop3A_123, %parallel_loop3A_414 : vector<16xf32>
        %parallel_loop3A_416 = arith.constant 8 : i32
        %parallel_loop3A_417 = arith.muli %parallel_loop3A_111, %parallel_loop3A_416 : i32
        %parallel_loop3A_418 = arith.constant 6 : i32
        %parallel_loop3A_419 = arith.addi %parallel_loop3A_417, %parallel_loop3A_418 : i32
        %parallel_loop3A_420 = arith.constant 16 : i32
        %parallel_loop3A_421 = arith.muli %parallel_loop3A_419, %parallel_loop3A_420 : i32
        %parallel_loop3A_422 = arith.index_cast %parallel_loop3A_421 : i32 to index
        %parallel_loop3A_423 = tpu.vector_load %arg9[%parallel_loop3A_422] {strides = array<i32>} : memref<4096xf32, #tpu.memory_space<vmem>>, vector<16xf32>,
        %parallel_loop3A_424 = arith.index_cast %parallel_loop3A_421 : i32 to index
        %parallel_loop3A_425 = tpu.vector_load %arg10[%parallel_loop3A_424] {strides = array<i32>} : memref<4096xi32, #tpu.memory_space<vmem>>, vector<16xi32>,
        %parallel_loop3A_426 = arith.index_cast %parallel_loop3A_421 : i32 to index
        %parallel_loop3A_427 = tpu.vector_load %arg11[%parallel_loop3A_426] {strides = array<i32>} : memref<4096xi32, #tpu.memory_space<vmem>>, vector<16xi32>,
        %parallel_loop3A_428 = arith.constant 2 : i32
        %parallel_loop3A_429 = vector.broadcast %parallel_loop3A_428 : i32 to vector<16xi32>
        %parallel_loop3A_430 = arith.muli %parallel_loop3A_429, %parallel_loop3A_425 : vector<16xi32>
        %parallel_loop3A_431 = arith.constant 1 : i32
        %parallel_loop3A_432 = vector.broadcast %parallel_loop3A_431 : i32 to vector<16xi32>
        %parallel_loop3A_433 = arith.subi %parallel_loop3A_432, %parallel_loop3A_430 : vector<16xi32>
        %parallel_loop3A_434 = arith.sitofp %parallel_loop3A_433 : vector<16xi32> to vector<16xf32>
        %parallel_loop3A_435 = arith.mulf %parallel_loop3A_434, %parallel_loop3A_423 : vector<16xf32>
        %parallel_loop3A_436 = arith.constant 0.000000e+00 : f32
        %parallel_loop3A_437 = vector.broadcast %parallel_loop3A_436 : f32 to vector<16xf32>
        %parallel_loop3A_438 = arith.maximumf %parallel_loop3A_435, %parallel_loop3A_437 : vector<16xf32>
        %parallel_loop3A_439 = math.absf %parallel_loop3A_423 : vector<16xf32>
        %parallel_loop3A_440 = arith.constant 0.000000e+00 : f32
        %parallel_loop3A_441 = vector.broadcast %parallel_loop3A_440 : f32 to vector<16xf32>
        %parallel_loop3A_442 = arith.subf %parallel_loop3A_441, %parallel_loop3A_439 : vector<16xf32>
        %parallel_loop3A_443 = math.exp %parallel_loop3A_442 : vector<16xf32>
        %parallel_loop3A_444 = arith.constant -0.0747361481 : f32
        %parallel_loop3A_445 = vector.broadcast %parallel_loop3A_444 : f32 to vector<16xf32>
        %parallel_loop3A_446 = arith.mulf %parallel_loop3A_445, %parallel_loop3A_443 : vector<16xf32>
        %parallel_loop3A_447 = arith.constant 0.254622221 : f32
        %parallel_loop3A_448 = vector.broadcast %parallel_loop3A_447 : f32 to vector<16xf32>
        %parallel_loop3A_449 = arith.addf %parallel_loop3A_446, %parallel_loop3A_448 : vector<16xf32>
        %parallel_loop3A_450 = arith.mulf %parallel_loop3A_449, %parallel_loop3A_443 : vector<16xf32>
        %parallel_loop3A_451 = arith.constant -0.486643046 : f32
        %parallel_loop3A_452 = vector.broadcast %parallel_loop3A_451 : f32 to vector<16xf32>
        %parallel_loop3A_453 = arith.addf %parallel_loop3A_450, %parallel_loop3A_452 : vector<16xf32>
        %parallel_loop3A_454 = arith.mulf %parallel_loop3A_453, %parallel_loop3A_443 : vector<16xf32>
        %parallel_loop3A_455 = arith.constant 0.999620378 : f32
        %parallel_loop3A_456 = vector.broadcast %parallel_loop3A_455 : f32 to vector<16xf32>
        %parallel_loop3A_457 = arith.addf %parallel_loop3A_454, %parallel_loop3A_456 : vector<16xf32>
        %parallel_loop3A_458 = arith.mulf %parallel_loop3A_443, %parallel_loop3A_457 : vector<16xf32>
        %parallel_loop3A_459 = arith.addf %parallel_loop3A_438, %parallel_loop3A_458 : vector<16xf32>
        %parallel_loop3A_460 = arith.addf %parallel_loop3A_124, %parallel_loop3A_459 : vector<16xf32>
        %parallel_loop3A_461 = arith.sitofp %parallel_loop3A_427 : vector<16xi32> to vector<16xf32>
        %parallel_loop3A_462 = arith.mulf %parallel_loop3A_461, %parallel_loop3A_459 : vector<16xf32>
        %parallel_loop3A_463 = arith.addf %parallel_loop3A_125, %parallel_loop3A_462 : vector<16xf32>
        %parallel_loop3A_464 = arith.constant 8 : i32
        %parallel_loop3A_465 = arith.muli %parallel_loop3A_111, %parallel_loop3A_464 : i32
        %parallel_loop3A_466 = arith.constant 7 : i32
        %parallel_loop3A_467 = arith.addi %parallel_loop3A_465, %parallel_loop3A_466 : i32
        %parallel_loop3A_468 = arith.constant 16 : i32
        %parallel_loop3A_469 = arith.muli %parallel_loop3A_467, %parallel_loop3A_468 : i32
        %parallel_loop3A_470 = arith.index_cast %parallel_loop3A_469 : i32 to index
        %parallel_loop3A_471 = tpu.vector_load %arg9[%parallel_loop3A_470] {strides = array<i32>} : memref<4096xf32, #tpu.memory_space<vmem>>, vector<16xf32>,
        %parallel_loop3A_472 = arith.index_cast %parallel_loop3A_469 : i32 to index
        %parallel_loop3A_473 = tpu.vector_load %arg10[%parallel_loop3A_472] {strides = array<i32>} : memref<4096xi32, #tpu.memory_space<vmem>>, vector<16xi32>,
        %parallel_loop3A_474 = arith.index_cast %parallel_loop3A_469 : i32 to index
        %parallel_loop3A_475 = tpu.vector_load %arg11[%parallel_loop3A_474] {strides = array<i32>} : memref<4096xi32, #tpu.memory_space<vmem>>, vector<16xi32>,
        %parallel_loop3A_476 = arith.constant 2 : i32
        %parallel_loop3A_477 = vector.broadcast %parallel_loop3A_476 : i32 to vector<16xi32>
        %parallel_loop3A_478 = arith.muli %parallel_loop3A_477, %parallel_loop3A_473 : vector<16xi32>
        %parallel_loop3A_479 = arith.constant 1 : i32
        %parallel_loop3A_480 = vector.broadcast %parallel_loop3A_479 : i32 to vector<16xi32>
        %parallel_loop3A_481 = arith.subi %parallel_loop3A_480, %parallel_loop3A_478 : vector<16xi32>
        %parallel_loop3A_482 = arith.sitofp %parallel_loop3A_481 : vector<16xi32> to vector<16xf32>
        %parallel_loop3A_483 = arith.mulf %parallel_loop3A_482, %parallel_loop3A_471 : vector<16xf32>
        %parallel_loop3A_484 = arith.constant 0.000000e+00 : f32
        %parallel_loop3A_485 = vector.broadcast %parallel_loop3A_484 : f32 to vector<16xf32>
        %parallel_loop3A_486 = arith.maximumf %parallel_loop3A_483, %parallel_loop3A_485 : vector<16xf32>
        %parallel_loop3A_487 = math.absf %parallel_loop3A_471 : vector<16xf32>
        %parallel_loop3A_488 = arith.constant 0.000000e+00 : f32
        %parallel_loop3A_489 = vector.broadcast %parallel_loop3A_488 : f32 to vector<16xf32>
        %parallel_loop3A_490 = arith.subf %parallel_loop3A_489, %parallel_loop3A_487 : vector<16xf32>
        %parallel_loop3A_491 = math.exp %parallel_loop3A_490 : vector<16xf32>
        %parallel_loop3A_492 = arith.constant -0.0747361481 : f32
        %parallel_loop3A_493 = vector.broadcast %parallel_loop3A_492 : f32 to vector<16xf32>
        %parallel_loop3A_494 = arith.mulf %parallel_loop3A_493, %parallel_loop3A_491 : vector<16xf32>
        %parallel_loop3A_495 = arith.constant 0.254622221 : f32
        %parallel_loop3A_496 = vector.broadcast %parallel_loop3A_495 : f32 to vector<16xf32>
        %parallel_loop3A_497 = arith.addf %parallel_loop3A_494, %parallel_loop3A_496 : vector<16xf32>
        %parallel_loop3A_498 = arith.mulf %parallel_loop3A_497, %parallel_loop3A_491 : vector<16xf32>
        %parallel_loop3A_499 = arith.constant -0.486643046 : f32
        %parallel_loop3A_500 = vector.broadcast %parallel_loop3A_499 : f32 to vector<16xf32>
        %parallel_loop3A_501 = arith.addf %parallel_loop3A_498, %parallel_loop3A_500 : vector<16xf32>
        %parallel_loop3A_502 = arith.mulf %parallel_loop3A_501, %parallel_loop3A_491 : vector<16xf32>
        %parallel_loop3A_503 = arith.constant 0.999620378 : f32
        %parallel_loop3A_504 = vector.broadcast %parallel_loop3A_503 : f32 to vector<16xf32>
        %parallel_loop3A_505 = arith.addf %parallel_loop3A_502, %parallel_loop3A_504 : vector<16xf32>
        %parallel_loop3A_506 = arith.mulf %parallel_loop3A_491, %parallel_loop3A_505 : vector<16xf32>
        %parallel_loop3A_507 = arith.addf %parallel_loop3A_486, %parallel_loop3A_506 : vector<16xf32>
        %parallel_loop3A_508 = arith.addf %parallel_loop3A_126, %parallel_loop3A_507 : vector<16xf32>
        %parallel_loop3A_509 = arith.sitofp %parallel_loop3A_475 : vector<16xi32> to vector<16xf32>
        %parallel_loop3A_510 = arith.mulf %parallel_loop3A_509, %parallel_loop3A_507 : vector<16xf32>
        %parallel_loop3A_511 = arith.addf %parallel_loop3A_127, %parallel_loop3A_510 : vector<16xf32>
        scf.yield %parallel_loop3A_172, %parallel_loop3A_175, %parallel_loop3A_220, %parallel_loop3A_223, %parallel_loop3A_268, %parallel_loop3A_271, %parallel_loop3A_316, %parallel_loop3A_319, %parallel_loop3A_364, %parallel_loop3A_367, %parallel_loop3A_412, %parallel_loop3A_415, %parallel_loop3A_460, %parallel_loop3A_463, %parallel_loop3A_508, %parallel_loop3A_511 : vector<16xf32>, vector<16xf32>, vector<16xf32>, vector<16xf32>, vector<16xf32>, vector<16xf32>, vector<16xf32>, vector<16xf32>, vector<16xf32>, vector<16xf32>, vector<16xf32>, vector<16xf32>, vector<16xf32>, vector<16xf32>, vector<16xf32>, vector<16xf32>
      } {sc.loop_unroll_factor = 1 : i64, sc.parallel_access}
      %add3A_102 = arith.constant 2 : i32
      %add3A_103 = arith.addi %add3A_65, %add3A_102 : i32
      %add3A_104 = arith.constant 1 : i32
      %add3A_105 = arith.addi %add3A_103, %add3A_104 : i32
      %lt3A_106 = arith.constant 8 : i32
      %lt3A_107 = arith.cmpi slt, %add3A_105, %lt3A_106 : i32
      %convert_element_type3A_108 = arith.extui %lt3A_107 : i1 to i32
      %cond3A_109 = arith.constant 0 : i32
      %cond3A_110 = arith.cmpi ne, %convert_element_type3A_108, %cond3A_109 : i32
      scf.if %cond3A_110 {
        %add3A_111 = arith.constant 2 : i32
        %add3A_112 = arith.addi %add3A_65, %add3A_111 : i32
        %add3A_113 = arith.constant 1 : i32
        %add3A_114 = arith.addi %add3A_112, %add3A_113 : i32
        %mul3A_115 = arith.constant 32768 : i32
        %mul3A_116 = arith.muli %add3A, %mul3A_115 : i32
        %mul3A_117 = arith.constant 4096 : i32
        %mul3A_118 = arith.muli %add3A_114, %mul3A_117 : i32
        %add3A_119 = arith.addi %mul3A_116, %mul3A_118 : i32
        %dma_start3A_120 = tpu.memref_slice %arg2[%add3A_119] : memref<1048576xf32, #tpu.memory_space<hbm>> -> memref<4096xf32, #tpu.memory_space<hbm>>
        %dma_start3A_121 = tpu.memref_slice %arg2[%add3A_119] : memref<1048576xf32, #tpu.memory_space<hbm>> -> memref<4096xf32, #tpu.memory_space<hbm>>
        tpu.enqueue_dma source(%dma_start3A_121 : memref<4096xf32, #tpu.memory_space<hbm>>) target(%arg9 : memref<4096xf32, #tpu.memory_space<vmem>>) target_semaphore(%arg14 : memref<!tpu.dma_semaphore, #tpu.memory_space<semaphore_mem>>)
        %dma_start3A_122 = tpu.memref_slice %arg3[%add3A_119] : memref<1048576xi32, #tpu.memory_space<hbm>> -> memref<4096xi32, #tpu.memory_space<hbm>>
        %dma_start3A_123 = tpu.memref_slice %arg3[%add3A_119] : memref<1048576xi32, #tpu.memory_space<hbm>> -> memref<4096xi32, #tpu.memory_space<hbm>>
        tpu.enqueue_dma source(%dma_start3A_123 : memref<4096xi32, #tpu.memory_space<hbm>>) target(%arg10 : memref<4096xi32, #tpu.memory_space<vmem>>) target_semaphore(%arg14 : memref<!tpu.dma_semaphore, #tpu.memory_space<semaphore_mem>>)
        %dma_start3A_124 = tpu.memref_slice %arg4[%add3A_119] : memref<1048576xi32, #tpu.memory_space<hbm>> -> memref<4096xi32, #tpu.memory_space<hbm>>
        %dma_start3A_125 = tpu.memref_slice %arg4[%add3A_119] : memref<1048576xi32, #tpu.memory_space<hbm>> -> memref<4096xi32, #tpu.memory_space<hbm>>
        tpu.enqueue_dma source(%dma_start3A_125 : memref<4096xi32, #tpu.memory_space<hbm>>) target(%arg11 : memref<4096xi32, #tpu.memory_space<vmem>>) target_semaphore(%arg14 : memref<!tpu.dma_semaphore, #tpu.memory_space<semaphore_mem>>)
      } else {
      }
      scf.yield %parallel_loop3A_101#0, %parallel_loop3A_101#1, %parallel_loop3A_101#2, %parallel_loop3A_101#3, %parallel_loop3A_101#4, %parallel_loop3A_101#5, %parallel_loop3A_101#6, %parallel_loop3A_101#7, %parallel_loop3A_101#8, %parallel_loop3A_101#9, %parallel_loop3A_101#10, %parallel_loop3A_101#11, %parallel_loop3A_101#12, %parallel_loop3A_101#13, %parallel_loop3A_101#14, %parallel_loop3A_101#15 : vector<16xf32>, vector<16xf32>, vector<16xf32>, vector<16xf32>, vector<16xf32>, vector<16xf32>, vector<16xf32>, vector<16xf32>, vector<16xf32>, vector<16xf32>, vector<16xf32>, vector<16xf32>, vector<16xf32>, vector<16xf32>, vector<16xf32>, vector<16xf32>
    }
    %scan3A_25 = arith.constant 4 : i32
    %add3A_26 = arith.addf %scan3A_24#0, %scan3A_24#2 : vector<16xf32>
    %add3A_27 = arith.addf %scan3A_24#1, %scan3A_24#3 : vector<16xf32>
    %add3A_28 = arith.addf %add3A_26, %scan3A_24#4 : vector<16xf32>
    %add3A_29 = arith.addf %add3A_27, %scan3A_24#5 : vector<16xf32>
    %add3A_30 = arith.addf %add3A_28, %scan3A_24#6 : vector<16xf32>
    %add3A_31 = arith.addf %add3A_29, %scan3A_24#7 : vector<16xf32>
    %add3A_32 = arith.addf %add3A_30, %scan3A_24#8 : vector<16xf32>
    %add3A_33 = arith.addf %add3A_31, %scan3A_24#9 : vector<16xf32>
    %add3A_34 = arith.addf %add3A_32, %scan3A_24#10 : vector<16xf32>
    %add3A_35 = arith.addf %add3A_33, %scan3A_24#11 : vector<16xf32>
    %add3A_36 = arith.addf %add3A_34, %scan3A_24#12 : vector<16xf32>
    %add3A_37 = arith.addf %add3A_35, %scan3A_24#13 : vector<16xf32>
    %add3A_38 = arith.addf %add3A_36, %scan3A_24#14 : vector<16xf32>
    %add3A_39 = arith.addf %add3A_37, %scan3A_24#15 : vector<16xf32>
    %swap3A = arith.constant 0 : index
    %swap3A_40 = tpu.vector_load %arg12[%swap3A] {strides = array<i32>} : memref<32xf32, #tpu.memory_space<vmem>>, vector<16xf32>,
    tpu.vector_store %arg12[%swap3A], %add3A_38 {strides = array<i32>} : memref<32xf32, #tpu.memory_space<vmem>>, vector<16xf32>,
    %swap3A_41 = arith.constant 16 : index
    %swap3A_42 = tpu.vector_load %arg12[%swap3A_41] {strides = array<i32>} : memref<32xf32, #tpu.memory_space<vmem>>, vector<16xf32>,
    tpu.vector_store %arg12[%swap3A_41], %add3A_39 {strides = array<i32>} : memref<32xf32, #tpu.memory_space<vmem>>, vector<16xf32>,
    %mul3A_43 = arith.constant 32 : i32
    %mul3A_44 = arith.muli %add3A, %mul3A_43 : i32
    "tpu.region"() ({
      %run_scoped3A = tpu.sem_alloc : memref<!tpu.dma_semaphore, #tpu.memory_space<semaphore_mem>>
      %dma_start3A_45 = tpu.memref_slice %arg5[%mul3A_44] : memref<1024xf32, #tpu.memory_space<hbm>> -> memref<32xf32, #tpu.memory_space<hbm>>
      %dma_start3A_46 = tpu.memref_slice %arg5[%mul3A_44] : memref<1024xf32, #tpu.memory_space<hbm>> -> memref<32xf32, #tpu.memory_space<hbm>>
      tpu.enqueue_dma source(%arg12 : memref<32xf32, #tpu.memory_space<vmem>>) target(%dma_start3A_46 : memref<32xf32, #tpu.memory_space<hbm>>) target_semaphore(%run_scoped3A : memref<!tpu.dma_semaphore, #tpu.memory_space<semaphore_mem>>)
      %dma_wait3A = tpu.memref_slice %arg5[%mul3A_44] : memref<1024xf32, #tpu.memory_space<hbm>> -> memref<32xf32, #tpu.memory_space<hbm>>
      %dma_wait3A_47 = tpu.memref_slice %arg5[%mul3A_44] : memref<1024xf32, #tpu.memory_space<hbm>> -> memref<32xf32, #tpu.memory_space<hbm>>
      tpu.wait_dma2 semaphore(%run_scoped3A : memref<!tpu.dma_semaphore, #tpu.memory_space<semaphore_mem>>) src(%arg12 : memref<32xf32, #tpu.memory_space<vmem>>) dst(%dma_wait3A_47 : memref<32xf32, #tpu.memory_space<hbm>>)
      tpu.yield
    }) : () -> ()
    return
  }
}

</mosaic_0001>

<sc_bundles>
// kernel: kernel.3.cloned.1.call-start
scs
__scs_entry_jumppad:
0x0: {  	(pc) =	sbr.rel $0x88, $3  }
0x1: {  	(tag) =	ssettag $0x0;
	lr =	simm.s32 $0x1  }
0x2: {  	[smem:$0x3F9D] =	sst lr;
	_ =	strace $0xD0000000  }
0x3: {  	_ = 	snop  }
0x4: {  	_ = 	snop  }
0x5: {  	_ = 	snop  }
0x6: {  	_ = 	snop  }
0x7: {  	_ = 	snop  }
__scs_overlays_trampoline_lowered:
0x8: {  	[smem:$0x3FAC] =	sst s0  }
0x9: {  	[smem:$0x3FAD] =	sst s1  }
0xa: {  	[smem:$0x3FAE] =	sst s2  }
0xb: {  	[smem:$0x3FAF] =	sst s3  }
0xc: {  	[smem:$0x3FB0] =	sst s4  }
0xd: {  	[smem:$0x3FB1] =	sst s5  }
0xe: {  	[smem:$0x3FB2] =	sst s6  }
0xf: {  	[smem:$0x3FB3] =	sst s7  }
0x10: {  	[smem:$0x3FB4] =	sst s8  }
0x11: {  	[smem:$0x3FB5] =	sst s9;
	s0 =	simm.s32 @!p0 $0x0  }
0x12: {  	s1 =	sld [smem:$0x3F9B];
	s0 =	simm.s32 @p0 $0x1  }
0x13: {  	[smem:$0x3FB6] =	sst s0;
	s0 =	simm.s32 @!p1 $0x0  }
0x14: {  	s2 =	sld [smem:$0x3F9A];
	s0 =	simm.s32 @p1 $0x1  }
0x15: {  	[smem:$0x3FB7] =	sst s0;
	s0 =	simm.s32 @!p2 $0x0  }
0x16: {  	s3 =	sld [smem:$0x3FDB];
	s0 =	simm.s32 @p2 $0x1  }
0x17: {  	s4 =	simm.s32 $0x1BF5;
	[smem:$0x3FB9] =	sst s0  }
0x18: {  	s0 =	sld [smem:$0x3F9C];
	_ =	swait.ge [sflag:s4], $0x0  }
0x19: {  	s7 =	sld [smem:$0x3F9D]  }
0x1a: {  	s8 =	sadd.s32 $0xFFFFE003, lr  }
0x1b: {  	s9 =	sadd.s32 $0xFFFFFEF7, lr;
	s5 =	simm.s32 $0xFFFFFFFF;
	p2 =	slt.u32 s8, $0xFFFFF086  }
0x1c: {  	p1 =	slt.u32 s9, $0xF7A;
	s5 =	simm.s32 @!p2 $0x0  }
0x1d: {  	s5 =	simm.s32 @p1 $0x1;
	p0 =	seq.s32 s7, s2  }
0x1e: {  	s7 =	smul.u32 @!p0 $0xF7A, s2;
	p2 =	seq.s32 @!p0 s5, $0x0  }
0x1f: {  	s9 =	smul.u32 $0xF7A, s1;
	s8 =	simm.s32 @!p0 $0x1BF5;
	p2 =	por !p2, p0  }
0x20: {  	[sflag:s8] =	ssyncset.s32 @!p0 $0xFFFFF086;
	s6 =	sadd.s32 @!p0 s3, s7;
	s7 =	simm.s32 @!p0 $0x108  }
0x21: {  	s3 =	sadd.s32 s3, s9;
	s6 =	sadd.s32 @!p0 $0x88, s6;
	s7 =	simm.s32 @p2 $0x1082  }
0x22: {  	[simem:s7], [sflag:s8] =	dma.local @!p0 [hbm:s6], $0xF7A  }
0x23: {  	s9 =	sor.u32 $0xD0000000, s2;
	s6 =	simm.s32 $0x108;
	_ =	swait.ge @!p0 [sflag:s8], $0x0  }
0x24: {  	s3 =	sadd.s32 $0x88, s3;
	s6 =	simm.s32 @!p1 $0x1082;
	[sflag:s4] =	ssyncset.s32 $0xFFFFF086  }
0x25: {  	[simem:s6], [sflag:s4] =	dma.local [hbm:s3], $0xF7A  }
0x26: {  	[smem:$0x3F9D] =	sst s1;
	(tag) =	ssettag s2;
	_ =	strace s9  }
0x27: {  	s1 =	sld [smem:$0x3FAD]  }
0x28: {  	s2 =	sld [smem:$0x3FAE]  }
0x29: {  	s4 =	sld [smem:$0x3FB0]  }
0x2a: {  	p0 =	seq.s32 s5, $0x0;
	s5 =	sld [smem:$0x3FB1]  }
0x2b: {  	s6 =	sld [smem:$0x3FB2]  }
0x2c: {  	s7 =	sld [smem:$0x3FB3]  }
0x2d: {  	s3 =	simm.s32 $0x108;
	s8 =	sld [smem:$0x3FB4]  }
0x2e: {  	s3 =	simm.s32 @!p0 $0x1082;
	s9 =	sld [smem:$0x3FB5]  }
0x2f: {  	lr =	sadd.s32 s0, s3;
	s0 =	sld [smem:$0x3FAC]  }
0x30: {  	s3 =	sld [smem:$0x3FAF]  }
0x31: {  	[smem:$0x3FB8] =	sst s10  }
0x32: {  	s10 =	sld [smem:$0x3FB6];
	_ =	sdelay $0x3  }
0x33: {  	p0 =	seq.s32 s10, $0x1;
	s10 =	sld [smem:$0x3FB8];
	_ =	sdelay $0x3  }
0x34: {  	[smem:$0x3FB8] =	sst s10  }
0x35: {  	s10 =	sld [smem:$0x3FB7];
	_ =	sdelay $0x3  }
0x36: {  	p1 =	seq.s32 s10, $0x1;
	s10 =	sld [smem:$0x3FB8];
	_ =	sdelay $0x3  }
0x37: {  	[smem:$0x3FB8] =	sst s10  }
0x38: {  	s10 =	sld [smem:$0x3FB9]  }
0x39: {  	_ = 	snop;
	(pc) =	sbr.ind lr, $3  }
0x3a: {  	_ = 	snop  }
0x3b: {  	_ = 	snop  }
0x3c: {  	p2 =	seq.s32 s10, $0x1;
	s10 =	sld [smem:$0x3FB8]  }
0x3d: {  	_ =	shalt  }
0x3e: {  	_ =	shalt  }
0x3f: {  	_ =	shalt  }
0x40: {  	_ =	shalt  }
0x41: {  	_ =	shalt  }
0x42: {  	_ =	shalt  }
0x43: {  	_ =	shalt  }
0x44: {  	_ =	shalt  }
0x45: {  	_ =	shalt  }
0x46: {  	_ =	shalt  }
0x47: {  	_ =	shalt  }
0x48: {  	_ =	shalt  }
0x49: {  	_ =	shalt  }
0x4a: {  	_ =	shalt  }
0x4b: {  	_ =	shalt  }
0x4c: {  	_ =	shalt  }
0x4d: {  	_ =	shalt  }
0x4e: {  	_ =	shalt  }
0x4f: {  	_ =	shalt  }
0x50: {  	_ =	shalt  }
0x51: {  	_ =	shalt  }
0x52: {  	_ =	shalt  }
0x53: {  	_ =	shalt  }
0x54: {  	_ =	shalt  }
0x55: {  	_ =	shalt  }
0x56: {  	_ =	shalt  }
0x57: {  	_ =	shalt  }
0x58: {  	_ =	shalt  }
0x59: {  	_ =	shalt  }
0x5a: {  	_ =	shalt  }
0x5b: {  	_ =	shalt  }
0x5c: {  	_ =	shalt  }
0x5d: {  	_ =	shalt  }
0x5e: {  	_ =	shalt  }
0x5f: {  	_ =	shalt  }
0x60: {  	_ =	shalt  }
0x61: {  	_ =	shalt  }
0x62: {  	_ =	shalt  }
0x63: {  	_ =	shalt  }
0x64: {  	_ =	shalt  }
0x65: {  	_ =	shalt  }
0x66: {  	_ =	shalt  }
0x67: {  	_ =	shalt  }
0x68: {  	_ =	shalt  }
0x69: {  	_ =	shalt  }
0x6a: {  	_ =	shalt  }
0x6b: {  	_ =	shalt  }
0x6c: {  	_ =	shalt  }
0x6d: {  	_ =	shalt  }
0x6e: {  	_ =	shalt  }
0x6f: {  	_ =	shalt  }
0x70: {  	_ =	shalt  }
0x71: {  	_ =	shalt  }
0x72: {  	_ =	shalt  }
0x73: {  	_ =	shalt  }
0x74: {  	_ =	shalt  }
0x75: {  	_ =	shalt  }
0x76: {  	_ =	shalt  }
0x77: {  	_ =	shalt  }
0x78: {  	_ =	shalt  }
0x79: {  	_ =	shalt  }
0x7a: {  	_ =	shalt  }
0x7b: {  	_ =	shalt  }
0x7c: {  	_ =	shalt  }
0x7d: {  	_ =	shalt  }
0x7e: {  	_ =	shalt  }
0x7f: {  	_ =	shalt  }
0x80: {  	_ =	shalt  }
0x81: {  	_ =	shalt  }
0x82: {  	_ =	shalt  }
0x83: {  	_ =	shalt  }
0x84: {  	_ =	shalt  }
0x85: {  	_ =	shalt  }
0x86: {  	_ =	shalt  }
0x87: {  	_ =	shalt  }
.Lfunc_end0:
.L_simem_size_0:
called_computation_lowered:
.L_overlay_start_0:
0x88: {  	s2 =	sld [smem:$0x3FD9]  }
0x89: {  	s3 =	sld [smem:$0x3FFE];
	_ =	sdelay $0x1  }
0x8a: {  	s1 =	srdreg.scid  }
0x8b: {  	s0 =	sand.u32 $0x1, s1  }
0x8c: {  	s17 =	sshll.u32 s0, $0xA;
	s2 =	sadd.s32 s3, s2  }
0x8d: {  	s2 =	sadd.s32 s2, s17  }
0x8e: {  	[smem:$0x3FC4] =	sst s2  }
0x8f: {  	_ = 	snop  }
0x90: {  	s2 =	sld [smem:$0x3FC8]  }
0x91: {  	s18 =	sld [smem:$0x3FC7];
	(tm) =	ssettm $0x1  }
0x92: {  	s4 =	sld [smem:$0x3FFB];
	_ =	sdelay $0x3  }
0x93: {  	_ =	strace s4  }
0x94: {  	s4 =	sld [smem:$0x3FFC];
	_ =	sdelay $0x3  }
0x95: {  	_ =	strace s4  }
0x96: {  	s4 =	sld [smem:$0x3FFD];
	_ =	sdelay $0x3  }
0x97: {  	_ =	strace s4  }
0x98: {  	_ =	strace $0x8FFFFFFF  }
0x99: {  	s19 =	sld [smem:$0x3FDB];
	_ =	sdelay $0x1  }
0x9a: {  	s5 =	simm.s32 $_scs_section_size  }
0x9b: {  	s6 =	simm.s32 $_size__tile_overlayer_lowered;
	s7 =	simm.s32 $_tile_overlayer_lowered  }
0x9c: {  	s22 =	simm.s32 $0x1BFF;
	s21 =	sshll.u32 s7, $0x1;
	s4 =	sadd.s32 s5, s19  }
0x9d: {  	s8 =	simm.s32 $0x0;
	s20 =	sshll.u32 s6, $0x1;
	s6 =	sadd.s32 s21, s4  }
0x9e: {  	[timem:s8], [sflag:s22] =	dma.local [hbm:s6], s20  }
0x9f: {  	_ =	swait.ge [sflag:s22], s20  }
0xa0: {  	s5 =	ssub.s32 $0x0, s20;
	[sflag:s22] =	ssyncset.done $0x0  }
0xa1: {  	[sflag:s22] =	ssyncadd.s32 s5;
	_ =	sdelay $0x1  }
0xa2: {  	s23 =	simm.s32 $0x1B8B  }
0xa3: {  	_ =	swait.ge [sflag:s23], $0x1  }
0xa4: {  	[sflag:s23] =	ssyncset.done $0x0  }
0xa5: {  	s25 =	simm.s32 $0x1B8E;
	s24 =	sld [smem:$0x3FFE];
	[sflag:s23] =	ssyncadd.s32 $0xFFFFFFFF  }
0xa6: {  	s26 =	simm.s32 $execute0_lowered;
	[smem:$0x3FD2] =	sst s25  }
0xa7: {  	s6 =	sshll.u32 s26, $0x1;
	_ =	strace $0x80000046;
	[dreg:$0x1] =	wrdreg $0xFFFFFFFF  }
0xa8: {  	s28 =	simm.s32 $_size_execute0_lowered;
	s4 =	sadd.s32 s4, s6;
	[dreg:$0x0] =	wrdreg $0x0  }
0xa9: {  	s6 =	sshll.u32 s28, $0x1;
	[dreg:$0x2] =	wrdreg s4  }
0xaa: {  	[dreg:$0x3] =	wrdreg s6  }
0xab: {  	[dreg:$0x4] =	wrdreg $0xC0  }
0xac: {  	_ =	task [dreg:s8], $0x5FFFF  }
0xad: {  	[dreg:$0x1] =	wrdreg $0xFFFFFFFF  }
0xae: {  	[dreg:$0x0] =	wrdreg $0x60  }
0xaf: {  	[dreg:$0x2] =	wrdreg s24  }
0xb0: {  	[dreg:$0x3] =	wrdreg s2  }
0xb1: {  	[dreg:$0x4] =	wrdreg s18  }
0xb2: {  	[dreg:$0x5] =	wrdreg $0x9  }
0xb3: {  	_ =	task.clear_ibuf [dreg:s8], $0x6FFFF;
	_ =	strace $0x90000046  }
0xb4: {  	s29 =	simm.s32 $0x9;
	_ =	strace $0x80000048  }
0xb5: {  	_ =	swait.ge [sflag:s29], $0x1  }
0xb6: {  	[sflag:s29] =	ssyncadd.s32 $0xFFFFFFFF  }
0xb7: {  	_ =	strace $0x90000048  }
0xb8: {  	_ =	sfence  }
0xb9: {  	s30 =	sld [smem:$0x0];
	_ =	sdelay $0x2  }
0xba: {  	s31 =	sshll.u32 s1, $0xD;
	s1 =	sshrl.u32 s1, $0x2  }
0xbb: {  	s3 =	sand.u32 $0x4000, s31;
	s1 =	sadd.s32 s1, s30  }
0xbc: {  	s0 =	sor.u32 s3, s0;
	s1 =	sshll.u32 s1, $0x11  }
0xbd: {  	s0 =	sor.u32 s1, s0  }
0xbe: {  	s0 =	sadd.s32 $0x8F2B, s0  }
0xbf: {  	[sflag:s0] =	ssyncadd.remote.s32 $0x1  }
0xc0: {  	_ =	sfence.sel $0xFFFF  }
0xc1: {  	[dreg:$0x0] =	wrdreg $0xFFFFFFFF;
	(pc) =	sbr.abs _section_cstart, $3  }
0xc2: {  	[dreg:$0x1] =	wrdreg $0xFFFFFFFF  }
0xc3: {  	_ =	task.clear_ibuf [dreg:s8], $0x2FFFF;
	_ =	strace $0x9FFFFFFF  }
0xc4: {  	(tm) =	ssettm $0x7FFFFFFF  }
0xc5: {  	_ =	shalt  }
tec
execute0_lowered:
.L_overlay_start_1:
0x0: {  	(tag) =	ssettag $0x1  }
0x1: {  	s6 =	rddreg [dreg:$0x0]  }
0x2: {  	s2 =	rddreg [dreg:$0x1]  }
0x3: {  	s3 =	rddreg [dreg:$0x2]  }
0x4: {  	s5 =	srdreg.scid;
	s1 =	stileid.u32  }
0x5: {  	s4 =	simm.s32 $0x0;
	s16 =	simm.s32 $0x1000;
	s17 =	simm.s32 $0x2000  }
0x6: {  	s18 =	simm.s32 $0x3000;
	s19 =	simm.s32 $0x4000;
	s20 =	simm.s32 $0x5000  }
0x7: {  	s21 =	simm.s32 $0x1;
	s22 =	simm.s32 $0x2;
	s23 =	simm.s32 $0x6000  }
0x8: {  	s24 =	simm.s32 $0x3;
	s5 =	sand.u32 $0x1, s5;
	s7 =	sshll.u32 s1, $0x1  }
0x9: {  	s25 =	simm.s32 $0x0;
	[smem:$0x7FF] =	sst s4;
	s7 =	sor.u32 s5, s7  }
0xa: {  	_ =	strace $0x80000047;
	s9 =	ssub.s32 $0x2, s5;
	s5 =	sadd.s32 $0x600, s6  }
0xb: {  	s8 =	sshll.u32 s7, $0x2;
	s30 =	sshrl.u32 s9, $0x1;
	s13 =	sshll.u32 s7, $0xF  }
.Ltmp0:
0xc: {  	s31 =	sshll.u32 s7, $0xC;
	s14 =	sadd.s32 s8, s6;
	(pc) =	sbr.rel .LBB2_1-.Ltmp0, $4  }
0xd: {  	s15 =	ssub.s32 s9, s30;
	s6 =	sadd.s32 s5, s31;
	s7 =	sadd.s32 s2, s31  }
0xe: {  	s11 =	sor.u32 $0x200, s31;
	s8 =	sadd.s32 s3, s31;
	s12 =	sor.u32 $0x2000, s13  }
0xf: {  	s13 =	sor.u32 $0x3000, s13;
	s9 =	sadd.s32 s5, s11;
	s10 =	sadd.s32 s2, s11  }
0x10: {  	s11 =	sadd.s32 s3, s11;
	s14 =	sadd.s32 $0x20600, s14;
	s15 =	smax.u32 s15, $0x1  }
.LBB2_8:
0x11: {  	v14 =	vadd.f32 v14, v18  }
0x12: {  	v11 =	vadd.f32 v11, v12  }
0x13: {  	v10 =	vadd.f32 v10, v14  }
0x14: {  	v9 =	vadd.f32 v9, v11  }
0x15: {  	v8 =	vadd.f32 v8, v10  }
0x16: {  	v7 =	vadd.f32 v7, v9  }
0x17: {  	v5 =	vadd.f32 v5, v8  }
0x18: {  	v6 =	vadd.f32 v6, v7  }
0x19: {  	v3 =	vadd.f32 v3, v5  }
0x1a: {  	v4 =	vadd.f32 v4, v6  }
0x1b: {  	v1 =	vadd.f32 v1, v3  }
0x1c: {  	v2 =	vadd.f32 v2, v4  }
0x1d: {  	v0 =	vadd.f32 v0, v1  }
0x1e: {  	s25 =	sadd.s32 $0x1, s25;
	v63 =	vadd.f32 v13, v2  }
0x1f: {  	p0 =	sne.s32 s25, s15;
	[tilespmem:$0x6000] =	vst v0  }
.Ltmp1:
0x20: {  	[tilespmem:$0x6010] =	vst v63;
	(pc) =	sbr.rel @!p0 .LBB2_9-.Ltmp1, $4  }
0x21: {  	[hbm4b:s14+s4] =	stream.linear.scatter [tilespmem:s23], [sflag:$0x3], $0x20, $0x38;
	[tilespmem:$0x6080] =	vst v63  }
0x22: {  	_ =	swait.ge [sflag:s24], $0x20  }
0x23: {  	[sflag:s24] =	ssyncset.done $0x0  }
0x24: {  	[sflag:s24] =	ssyncadd.s32 $0xFFFFFFE0  }
.LBB2_1:
0x25: {  	[tilespmem:s4], [sflag:$0x1] =	stream.linear.gather [hbm4b:s6+s4], $0x1000, $0x38;
	[tilespmem:$0x6080] =	vst v63  }
0x26: {  	_ = 	snop  }
0x27: {  	[tilespmem:s16], [sflag:$0x1] =	stream.linear.gather [hbm4b:s7+s4], $0x1000, $0x38;
	[tilespmem:$0x6080] =	vst v63  }
0x28: {  	_ = 	snop  }
0x29: {  	[tilespmem:s17], [sflag:$0x1] =	stream.linear.gather [hbm4b:s8+s4], $0x1000, $0x38;
	[tilespmem:$0x6080] =	vst v63  }
0x2a: {  	v13 =	vimm.f32 $0.0e+00  }
0x2b: {  	v0 =	vimm.f32 $0.0e+00;
	v2 =	vimm.f32 $0.0e+00;
	v1 =	vimm.f32 $0.0e+00;
	[tilespmem:s18], [sflag:$0x2] =	stream.linear.gather [hbm4b:s9+s4], $0x1000, $0x38;
	[tilespmem:$0x6080] =	vst v63  }
0x2c: {  	v4 =	vimm.f32 $0.0e+00;
	v3 =	vimm.f32 $0.0e+00;
	v6 =	vimm.f32 $0.0e+00  }
0x2d: {  	v5 =	vimm.f32 $0.0e+00;
	v7 =	vimm.f32 $0.0e+00;
	v8 =	vimm.f32 $0.0e+00;
	[tilespmem:s19], [sflag:$0x2] =	stream.linear.gather [hbm4b:s10+s4], $0x1000, $0x38;
	[tilespmem:$0x6080] =	vst v63  }
0x2e: {  	v9 =	vimm.f32 $0.0e+00;
	v10 =	vimm.f32 $0.0e+00;
	v11 =	vimm.f32 $0.0e+00;
	s26 =	simm.s32 $0x0  }
0x2f: {  	v14 =	vimm.f32 $0.0e+00;
	v12 =	vimm.f32 $0.0e+00;
	v18 =	vimm.f32 $0.0e+00;
	[tilespmem:s20], [sflag:$0x2] =	stream.linear.gather [hbm4b:s11+s4], $0x1000, $0x38;
	[tilespmem:$0x6080] =	vst v63  }
.LBB2_2:
0x30: {  	_ =	swait.ge [sflag:s21], $0x1000  }
0x31: {  	[sflag:s21] =	ssyncset.done $0x0  }
0x32: {  	[sflag:s21] =	ssyncadd.s32 $0xFFFFF000  }
0x33: {  	_ =	swait.ge [sflag:s21], $0x1000  }
0x34: {  	[sflag:s21] =	ssyncset.done $0x0  }
0x35: {  	[sflag:s21] =	ssyncadd.s32 $0xFFFFF000  }
0x36: {  	_ =	swait.ge [sflag:s21], $0x1000  }
0x37: {  	[sflag:s21] =	ssyncset.done $0x0  }
0x38: {  	s28 =	simm.s32 $0x0;
	[sflag:s21] =	ssyncadd.s32 $0xFFFFF000  }
0x39: {  	v15 =	vld [tilespmem:s28+$0x70]  }
0x3a: {  	v24 =	vld [tilespmem:s28+$0x0]  }
0x3b: {  	v23 =	vld [tilespmem:s28+$0x10]  }
0x3c: {  	v19 =	vld [tilespmem:s28+$0x20]  }
0x3d: {  	v20 =	vld [tilespmem:s28+$0x30]  }
0x3e: {  	v17 =	vld [tilespmem:s28+$0x40]  }
0x3f: {  	v21 =	vld [tilespmem:s28+$0x50]  }
0x40: {  	v28 =	vld [tilespmem:s28+$0x1000];
	_ =	sdelay $0x2  }
0x41: {  	v16 =	vand.u32 $0x7FFFFFFF, v15;
	v22 =	vand.u32 $0x7FFFFFFF, v24  }
0x42: {  	v26 =	vand.u32 $0x7FFFFFFF, v23;
	v27 =	vand.u32 $0x7FFFFFFF, v19;
	v29 =	vand.u32 $0x7FFFFFFF, v20  }
0x43: {  	v30 =	vand.u32 $0x7FFFFFFF, v17;
	v32 =	vand.u32 $0x7FFFFFFF, v21;
	v28 =	vshll.u32 v28, $0x1  }
0x44: {  	v16 =	vsub.f32 $0.0e+00, v16;
	v25 =	vsub.f32 $0.0e+00, v22;
	v22 =	vld [tilespmem:s28+$0x60];
	v28 =	vsub.s32 $0x1, v28  }
0x45: {  	v31 =	vld [tilespmem:s28+$0x1020];
	v26 =	vsub.f32 $0.0e+00, v26;
	v27 =	vsub.f32 $0.0e+00, v27;
	v28 =	vcvt.s32.f32 v28  }
0x46: {  	v33 =	vld [tilespmem:s28+$0x1030];
	v29 =	vsub.f32 $0.0e+00, v29;
	v16 =	vmul.f32 $1.442695020e+00, v16;
	v25 =	vmul.f32 $1.442695020e+00, v25  }
0x47: {  	v34 =	vld [tilespmem:s28+$0x1040];
	v30 =	vsub.f32 $0.0e+00, v30;
	v26 =	vmul.f32 $1.442695020e+00, v26;
	v27 =	vmul.f32 $1.442695020e+00, v27  }
0x48: {  	v32 =	vsub.f32 $0.0e+00, v32;
	v29 =	vmul.f32 $1.442695020e+00, v29;
	(erf) = vpow2.f32 v16;
	v16 =	vld [tilespmem:s28+$0x1010]  }
0x49: {  	v30 =	vmul.f32 $1.442695020e+00, v30;
	v35 =	vand.u32 $0x7FFFFFFF, v22;
	(erf) = vpow2.f32 v25  }
0x4a: {  	v24 =	vmul.f32 v28, v24;
	v25 =	vld [tilespmem:s28+$0x1050];
	v35 =	vsub.f32 $0.0e+00, v35;
	(erf) = vpow2.f32 v26  }
0x4b: {  	v31 =	vshll.u32 v31, $0x1;
	v26 =	vmul.f32 $1.442695020e+00, v32;
	(erf) = vpow2.f32 v27  }
0x4c: {  	v27 =	vmul.f32 $1.442695020e+00, v35;
	(erf) = vpow2.f32 v29;
	v29 =	vshll.u32 v33, $0x1  }
0x4d: {  	v16 =	vshll.u32 v16, $0x1;
	(erf) = vpow2.f32 v30;
	v30 =	vshll.u32 v34, $0x1  }
0x4e: {  	v57 =	vld [tilespmem:s28+$0x1060];
	v29 =	vsub.s32 $0x1, v29;
	v16 =	vsub.s32 $0x1, v16;
	(erf) = vpow2.f32 v26  }
0x4f: {  	v25 =	vshll.u32 v25, $0x1;
	v30 =	vsub.s32 $0x1, v30;
	v29 =	vcvt.s32.f32 v29  }
0x50: {  	v59 =	vcvt.s32.f32 v16;
	v25 =	vsub.s32 $0x1, v25;
	v30 =	vcvt.s32.f32 v30  }
0x51: {  	v24 =	vmax.f32 v24, $0.0e+00;
	v25 =	vcvt.s32.f32 v25;
	v20 =	vmul.f32 v29, v20  }
0x52: {  	v16 =	vld [tilespmem:s28+$0x1070];
	v26 =	vpop (erf);
	(erf) = vpow2.f32 v27;
	v27 =	vsub.s32 $0x1, v31;
	v23 =	vmul.f32 v59, v23  }
0x53: {  	v31 =	vshll.u32 v57, $0x1;
	v17 =	vmul.f32 v30, v17;
	v58 =	vmul.f32 $7.473614810e-02, v26  }
0x54: {  	v27 =	vcvt.s32.f32 v27;
	v60 =	vpop (erf);
	v31 =	vsub.s32 $0x1, v31;
	v21 =	vmul.f32 v25, v21  }
0x55: {  	v61 =	vmul.f32 $7.473614810e-02, v60;
	v36 =	vpop (erf);
	v31 =	vcvt.s32.f32 v31;
	v23 =	vmax.f32 v23, $0.0e+00  }
0x56: {  	v17 =	vmax.f32 v17, $0.0e+00;
	v33 =	vsub.f32 $2.546222210e-01, v58;
	v37 =	vmul.f32 $7.473614810e-02, v36  }
0x57: {  	v38 =	vpop (erf);
	v16 =	vshll.u32 v16, $0x1;
	v19 =	vmul.f32 v27, v19;
	v21 =	vmax.f32 v21, $0.0e+00  }
0x58: {  	v35 =	vsub.f32 $2.546222210e-01, v61;
	v39 =	vmul.f32 $7.473614810e-02, v38;
	v16 =	vsub.s32 $0x1, v16  }
0x59: {  	v40 =	vpop (erf);
	v22 =	vmul.f32 v31, v22;
	v33 =	vmul.f32 v33, v26;
	v37 =	vsub.f32 $2.546222210e-01, v37  }
0x5a: {  	v41 =	vmul.f32 $7.473614810e-02, v40;
	v42 =	vpop (erf);
	v16 =	vcvt.s32.f32 v16;
	v30 =	vmax.f32 v19, $0.0e+00  }
0x5b: {  	v43 =	vmul.f32 $7.473614810e-02, v42;
	v44 =	vpop (erf);
	v39 =	vsub.f32 $2.546222210e-01, v39;
	v35 =	vmul.f32 v35, v60  }
0x5c: {  	v33 =	vadd.f32 $-4.866430460e-01, v33;
	v45 =	vmul.f32 $7.473614810e-02, v44;
	v41 =	vsub.f32 $2.546222210e-01, v41  }
0x5d: {  	v15 =	vmul.f32 v16, v15;
	v43 =	vsub.f32 $2.546222210e-01, v43;
	v62 =	vmul.f32 v39, v38  }
0x5e: {  	v27 =	vld [tilespmem:s28+$0x2010];
	v35 =	vadd.f32 $-4.866430460e-01, v35;
	v33 =	vmul.f32 v33, v26;
	v47 =	vpop (erf);
	v45 =	vsub.f32 $2.546222210e-01, v45  }
0x5f: {  	v58 =	vld [tilespmem:s28+$0x2040];
	v15 =	vmax.f32 v15, $0.0e+00;
	v48 =	vmul.f32 $7.473614810e-02, v47;
	v49 =	vmul.f32 v43, v42  }
0x60: {  	v63 =	vmul.f32 v41, v40;
	v35 =	vmul.f32 v35, v60;
	v33 =	vadd.f32 $9.996203780e-01, v33  }
0x61: {  	v46 =	vld [tilespmem:s28+$0x2070];
	v50 =	vmul.f32 v45, v44;
	v48 =	vsub.f32 $2.546222210e-01, v48;
	v39 =	vadd.f32 $-4.866430460e-01, v49  }
0x62: {  	v35 =	vadd.f32 $9.996203780e-01, v35;
	v16 =	vmul.f32 v33, v26;
	v26 =	vmul.f32 v37, v36  }
0x63: {  	v57 =	vld [tilespmem:s28+$0x2000];
	v37 =	vadd.f32 $-4.866430460e-01, v63;
	v63 =	vmax.f32 v22, $0.0e+00;
	v22 =	vcvt.s32.f32 v27  }
0x64: {  	v33 =	vadd.f32 $-4.866430460e-01, v62;
	v27 =	vcvt.s32.f32 v58;
	v51 =	vmul.f32 v48, v47  }
0x65: {  	v52 =	vadd.f32 $-4.866430460e-01, v50;
	v39 =	vmul.f32 v39, v42;
	v29 =	vmul.f32 v35, v60  }
0x66: {  	v16 =	vadd.f32 v16, v15;
	v15 =	vcvt.s32.f32 v46;
	v26 =	vadd.f32 $-4.866430460e-01, v26  }
0x67: {  	v37 =	vmul.f32 v37, v40;
	v53 =	vadd.f32 $-4.866430460e-01, v51;
	v54 =	vadd.f32 $9.996203780e-01, v39  }
0x68: {  	v29 =	vadd.f32 v29, v24;
	v39 =	vcvt.s32.f32 v57;
	v15 =	vmul.f32 v15, v16  }
0x69: {  	v62 =	vld [tilespmem:s28+$0x2060];
	v26 =	vmul.f32 v26, v36;
	v28 =	vadd.f32 $9.996203780e-01, v37;
	v41 =	vmul.f32 v53, v47  }
0x6a: {  	v25 =	vld [tilespmem:s28+$0x2020];
	v15 =	vadd.f32 v15, v13;
	v13 =	vmul.f32 v33, v38;
	v33 =	vmul.f32 v52, v44  }
0x6b: {  	v60 =	vld [tilespmem:s28+$0x2050];
	v59 =	vmul.f32 v54, v42;
	v26 =	vadd.f32 $9.996203780e-01, v26;
	v56 =	vadd.f32 $9.996203780e-01, v41  }
0x6c: {  	v31 =	vld [tilespmem:s28+$0x2030];
	v28 =	vmul.f32 v28, v40;
	v13 =	vadd.f32 $9.996203780e-01, v13;
	v55 =	vadd.f32 $9.996203780e-01, v33  }
0x6d: {  	v19 =	vmul.f32 v26, v36;
	v26 =	vmax.f32 v20, $0.0e+00;
	v33 =	vadd.f32 v59, v17  }
0x6e: {  	v61 =	vmul.f32 v56, v47;
	v24 =	vadd.f32 v28, v26;
	v28 =	vcvt.s32.f32 v62  }
0x6f: {  	v13 =	vmul.f32 v13, v38;
	v32 =	vmul.f32 v55, v44;
	v19 =	vadd.f32 v19, v23  }
0x70: {  	v23 =	vcvt.s32.f32 v25;
	v25 =	vcvt.s32.f32 v60;
	v17 =	vadd.f32 v61, v63  }
0x71: {  	v20 =	vadd.f32 v13, v30;
	v26 =	vadd.f32 v32, v21;
	v21 =	vcvt.s32.f32 v31  }
0x72: {  	s29 =	simm.s32 $0x80;
	s28 =	simm.s32 $0x400;
	v13 =	vadd.f32 v29, v18;
	v29 =	vmul.f32 v39, v29;
	v14 =	vadd.f32 v19, v14  }
.LBB2_3:
0x73: {  	p0 =	sne.s32 s28, $0x3E00;
	v30 =	vld [tilespmem:s29+$0x70];
	v22 =	vmul.f32 v22, v19;
	v10 =	vadd.f32 v20, v10;
	v23 =	vmul.f32 v23, v20  }
0x74: {  	v21 =	vmul.f32 v21, v24;
	v27 =	vmul.f32 v27, v33;
	v18 =	vld [tilespmem:s29+$0x0];
	v12 =	vadd.f32 v29, v12  }
0x75: {  	v19 =	vld [tilespmem:s29+$0x10];
	v11 =	vadd.f32 v22, v11;
	v22 =	vmul.f32 v25, v26;
	v25 =	vmul.f32 v28, v17  }
0x76: {  	v9 =	vadd.f32 v23, v9;
	v7 =	vadd.f32 v21, v7;
	v20 =	vld [tilespmem:s29+$0x20]  }
0x77: {  	v6 =	vadd.f32 v27, v6;
	v21 =	vld [tilespmem:s29+$0x30];
	v4 =	vadd.f32 v22, v4  }
0x78: {  	v8 =	vadd.f32 v24, v8;
	v2 =	vadd.f32 v25, v2;
	v22 =	vld [tilespmem:s29+$0x40];
	v27 =	vand.u32 $0x7FFFFFFF, v30  }
0x79: {  	v5 =	vadd.f32 v33, v5;
	v24 =	vand.u32 $0x7FFFFFFF, v18;
	v23 =	vld [tilespmem:s29+$0x50];
	v25 =	vsub.f32 $0.0e+00, v27  }
0x7a: {  	v3 =	vadd.f32 v26, v3;
	v27 =	vsub.f32 $0.0e+00, v24;
	v28 =	vand.u32 $0x7FFFFFFF, v19;
	v24 =	vld [tilespmem:s29+$0x60]  }
0x7b: {  	v26 =	vld [tilespmem:s29+$0x1000];
	v28 =	vsub.f32 $0.0e+00, v28;
	v29 =	vand.u32 $0x7FFFFFFF, v20;
	v25 =	vmul.f32 $1.442695020e+00, v25  }
0x7c: {  	v27 =	vmul.f32 $1.442695020e+00, v27;
	v31 =	vld [tilespmem:s29+$0x1010];
	v29 =	vsub.f32 $0.0e+00, v29;
	v32 =	vand.u32 $0x7FFFFFFF, v21  }
0x7d: {  	v33 =	vld [tilespmem:s29+$0x1020];
	v32 =	vsub.f32 $0.0e+00, v32;
	v34 =	vand.u32 $0x7FFFFFFF, v22;
	(erf) = vpow2.f32 v25  }
0x7e: {  	v28 =	vmul.f32 $1.442695020e+00, v28;
	v35 =	vld [tilespmem:s29+$0x1030];
	v25 =	vsub.f32 $0.0e+00, v34;
	v34 =	vand.u32 $0x7FFFFFFF, v23  }
0x7f: {  	v29 =	vmul.f32 $1.442695020e+00, v29;
	v36 =	vld [tilespmem:s29+$0x1040];
	v34 =	vsub.f32 $0.0e+00, v34;
	v37 =	vand.u32 $0x7FFFFFFF, v24  }
0x80: {  	v32 =	vmul.f32 $1.442695020e+00, v32;
	v38 =	vmul.f32 $1.442695020e+00, v25;
	v39 =	vld [tilespmem:s29+$0x1050];
	v37 =	vsub.f32 $0.0e+00, v37  }
0x81: {  	v40 =	vshll.u32 v26, $0x1;
	v34 =	vmul.f32 $1.442695020e+00, v34;
	v41 =	vld [tilespmem:s29+$0x1060];
	(erf) = vpow2.f32 v27  }
0x82: {  	v31 =	vshll.u32 v31, $0x1;
	v25 =	vld [tilespmem:s29+$0x2000];
	v37 =	vmul.f32 $1.442695020e+00, v37;
	(erf) = vpow2.f32 v28  }
0x83: {  	v33 =	vshll.u32 v33, $0x1;
	v26 =	vld [tilespmem:s29+$0x2010];
	v35 =	vshll.u32 v35, $0x1;
	(erf) = vpow2.f32 v29  }
0x84: {  	v40 =	vsub.s32 $0x1, v40;
	v27 =	vld [tilespmem:s29+$0x2020];
	v36 =	vshll.u32 v36, $0x1;
	(erf) = vpow2.f32 v32  }
0x85: {  	v42 =	vsub.s32 $0x1, v31;
	v28 =	vld [tilespmem:s29+$0x2030];
	v32 =	vshll.u32 v39, $0x1;
	(erf) = vpow2.f32 v38  }
0x86: {  	v33 =	vsub.s32 $0x1, v33;
	v29 =	vld [tilespmem:s29+$0x2040];
	v38 =	vshll.u32 v41, $0x1;
	(erf) = vpow2.f32 v34;
	v34 =	vpop (erf)  }
0x87: {  	v35 =	vsub.s32 $0x1, v35;
	v31 =	vld [tilespmem:s29+$0x2050];
	v39 =	vmul.f32 $7.473614810e-02, v34;
	(erf) = vpow2.f32 v37  }
0x88: {  	v36 =	vsub.s32 $0x1, v36;
	v37 =	vsub.s32 $0x1, v32;
	v38 =	vsub.s32 $0x1, v38;
	v32 =	vld [tilespmem:s29+$0x2060]  }
0x89: {  	v40 =	vcvt.s32.f32 v40;
	v41 =	vcvt.s32.f32 v42;
	v42 =	vld [tilespmem:s29+$0x1070];
	v39 =	vsub.f32 $2.546222210e-01, v39  }
0x8a: {  	v1 =	vadd.f32 v17, v1;
	v33 =	vcvt.s32.f32 v33;
	v35 =	vcvt.s32.f32 v35;
	v43 =	vpop (erf)  }
0x8b: {  	v0 =	vadd.f32 v16, v0;
	v17 =	vmul.f32 $7.473614810e-02, v43;
	v39 =	vmul.f32 v39, v34;
	v44 =	vpop (erf)  }
0x8c: {  	v36 =	vcvt.s32.f32 v36;
	v16 =	vmul.f32 $7.473614810e-02, v44;
	v45 =	vpop (erf)  }
0x8d: {  	v17 =	vsub.f32 $2.546222210e-01, v17;
	v46 =	vmul.f32 $7.473614810e-02, v45;
	v39 =	vadd.f32 $-4.866430460e-01, v39;
	v47 =	vpop (erf)  }
0x8e: {  	v16 =	vsub.f32 $2.546222210e-01, v16;
	v48 =	vmul.f32 $7.473614810e-02, v47;
	v42 =	vshll.u32 v42, $0x1;
	v49 =	vpop (erf)  }
0x8f: {  	v50 =	vmul.f32 $7.473614810e-02, v49;
	v42 =	vsub.s32 $0x1, v42;
	v39 =	vmul.f32 v39, v34;
	v51 =	vpop (erf)  }
0x90: {  	v46 =	vsub.f32 $2.546222210e-01, v46;
	v52 =	vmul.f32 $7.473614810e-02, v51;
	v53 =	vld [tilespmem:s29+$0x2070];
	v42 =	vcvt.s32.f32 v42;
	v54 =	vpop (erf)  }
0x91: {  	v48 =	vsub.f32 $2.546222210e-01, v48;
	v55 =	vmul.f32 $7.473614810e-02, v54;
	v39 =	vadd.f32 $9.996203780e-01, v39  }
0x92: {  	v50 =	vsub.f32 $2.546222210e-01, v50;
	v52 =	vsub.f32 $2.546222210e-01, v52;
	v30 =	vmul.f32 v42, v30  }
0x93: {  	v17 =	vmul.f32 v17, v43;
	v42 =	vsub.f32 $2.546222210e-01, v55;
	v34 =	vmul.f32 v39, v34  }
0x94: {  	v46 =	vmul.f32 v46, v45;
	v39 =	vmul.f32 v16, v44;
	v16 =	vmax.f32 v30, $0.0e+00  }
0x95: {  	v30 =	vmul.f32 v48, v47;
	v16 =	vadd.f32 v34, v16;
	v34 =	vcvt.s32.f32 v53  }
0x96: {  	v17 =	vadd.f32 $-4.866430460e-01, v17;
	v48 =	vmul.f32 v50, v49;
	v50 =	vmul.f32 v52, v51  }
0x97: {  	v39 =	vadd.f32 $-4.866430460e-01, v39;
	v42 =	vmul.f32 v42, v54;
	v34 =	vmul.f32 v34, v16  }
0x98: {  	v17 =	vmul.f32 v17, v43;
	v46 =	vadd.f32 $-4.866430460e-01, v46;
	v30 =	vadd.f32 $-4.866430460e-01, v30  }
0x99: {  	v48 =	vadd.f32 $-4.866430460e-01, v48;
	v39 =	vmul.f32 v39, v44;
	v15 =	vadd.f32 v34, v15  }
0x9a: {  	v42 =	vadd.f32 $-4.866430460e-01, v42;
	v34 =	vmul.f32 v46, v45;
	v46 =	vadd.f32 $-4.866430460e-01, v50  }
0x9b: {  	v17 =	vadd.f32 $9.996203780e-01, v17;
	v30 =	vmul.f32 v30, v47;
	v48 =	vmul.f32 v48, v49  }
0x9c: {  	v39 =	vadd.f32 $9.996203780e-01, v39;
	v42 =	vmul.f32 v42, v54;
	v46 =	vmul.f32 v46, v51  }
0x9d: {  	v37 =	vcvt.s32.f32 v37;
	v38 =	vcvt.s32.f32 v38;
	v34 =	vadd.f32 $9.996203780e-01, v34  }
0x9e: {  	v18 =	vmul.f32 v40, v18;
	v30 =	vadd.f32 $9.996203780e-01, v30;
	v40 =	vadd.f32 $9.996203780e-01, v48  }
0x9f: {  	v19 =	vmul.f32 v41, v19;
	v42 =	vadd.f32 $9.996203780e-01, v42;
	v41 =	vadd.f32 $9.996203780e-01, v46  }
0xa0: {  	v18 =	vmax.f32 v18, $0.0e+00;
	v20 =	vmul.f32 v33, v20;
	v21 =	vmul.f32 v35, v21  }
0xa1: {  	v22 =	vmul.f32 v36, v22;
	v19 =	vmax.f32 v19, $0.0e+00;
	v23 =	vmul.f32 v37, v23  }
0xa2: {  	v20 =	vmax.f32 v20, $0.0e+00;
	v24 =	vmul.f32 v38, v24;
	v17 =	vmul.f32 v17, v43  }
0xa3: {  	v21 =	vmax.f32 v21, $0.0e+00;
	v33 =	vmul.f32 v39, v44;
	v34 =	vmul.f32 v34, v45  }
0xa4: {  	v35 =	vmax.f32 v22, $0.0e+00;
	v30 =	vmul.f32 v30, v47;
	v36 =	vmul.f32 v40, v49  }
0xa5: {  	v23 =	vmax.f32 v23, $0.0e+00;
	v38 =	vmul.f32 v42, v54;
	v37 =	vmul.f32 v41, v51  }
0xa6: {  	v18 =	vadd.f32 v17, v18;
	v17 =	vmax.f32 v24, $0.0e+00;
	v19 =	vadd.f32 v33, v19  }
.Ltmp2:
0xa7: {  	v39 =	vcvt.s32.f32 v25;
	v24 =	vadd.f32 v30, v21;
	v20 =	vadd.f32 v34, v20;
	(pc) =	sbr.rel @p0 .LBB2_3-.Ltmp2, $4  }
0xa8: {  	v22 =	vcvt.s32.f32 v26;
	v33 =	vadd.f32 v36, v35;
	v26 =	vadd.f32 v37, v23  }
0xa9: {  	v21 =	vcvt.s32.f32 v28;
	v17 =	vadd.f32 v38, v17;
	v23 =	vcvt.s32.f32 v27  }
0xaa: {  	v13 =	vadd.f32 v18, v13;
	v25 =	vcvt.s32.f32 v31;
	v27 =	vcvt.s32.f32 v29  }
0xab: {  	s29 =	sshra.s32 s28, $0x2;
	s28 =	sadd.s32 $0x200, s28;
	v28 =	vcvt.s32.f32 v32;
	v14 =	vadd.f32 v19, v14;
	v29 =	vmul.f32 v39, v18  }
0xac: {  	v30 =	vld [tilespmem:s29+$0x70]  }
0xad: {  	v18 =	vmul.f32 v22, v19;
	v22 =	vld [tilespmem:s29+$0x0]  }
0xae: {  	v10 =	vadd.f32 v20, v10;
	v19 =	vmul.f32 v23, v20;
	v23 =	vld [tilespmem:s29+$0x10]  }
0xaf: {  	v20 =	vmul.f32 v21, v24;
	v21 =	vmul.f32 v27, v33;
	v8 =	vadd.f32 v24, v8;
	v24 =	vld [tilespmem:s29+$0x40]  }
0xb0: {  	v38 =	vld [tilespmem:s29+$0x1050];
	v12 =	vadd.f32 v29, v12;
	v27 =	vmul.f32 v28, v17;
	v17 =	vadd.f32 v17, v1  }
0xb1: {  	v25 =	vmul.f32 v25, v26;
	v47 =	vld [tilespmem:s29+$0x1060];
	v18 =	vadd.f32 v18, v11;
	v11 =	vadd.f32 v19, v9  }
0xb2: {  	v19 =	vadd.f32 v20, v7;
	v7 =	vadd.f32 v21, v6;
	v6 =	vld [tilespmem:s29+$0x30]  }
0xb3: {  	v9 =	vld [tilespmem:s29+$0x20];
	v4 =	vadd.f32 v25, v4;
	v2 =	vadd.f32 v27, v2;
	v20 =	vand.u32 $0x7FFFFFFF, v30  }
0xb4: {  	v21 =	vand.u32 $0x7FFFFFFF, v22;
	v29 =	vand.u32 $0x7FFFFFFF, v23;
	v46 =	vand.u32 $0x7FFFFFFF, v24  }
0xb5: {  	v25 =	vld [tilespmem:s29+$0x50];
	v49 =	vshll.u32 v38, $0x1;
	v27 =	vsub.f32 $0.0e+00, v20;
	v20 =	vadd.f32 v33, v5  }
0xb6: {  	v50 =	vshll.u32 v47, $0x1;
	v28 =	vsub.f32 $0.0e+00, v21;
	v5 =	vld [tilespmem:s29+$0x60];
	v21 =	vadd.f32 v26, v3  }
0xb7: {  	v26 =	vld [tilespmem:s29+$0x1000];
	v33 =	vsub.f32 $0.0e+00, v46;
	v32 =	vand.u32 $0x7FFFFFFF, v6;
	v3 =	vmul.f32 $1.442695020e+00, v27  }
0xb8: {  	v27 =	vsub.f32 $0.0e+00, v29;
	v29 =	vand.u32 $0x7FFFFFFF, v9;
	v28 =	vmul.f32 $1.442695020e+00, v28  }
0xb9: {  	v31 =	vld [tilespmem:s29+$0x1010];
	v32 =	vsub.f32 $0.0e+00, v32;
	v33 =	vmul.f32 $1.442695020e+00, v33;
	v29 =	vsub.f32 $0.0e+00, v29  }
0xba: {  	v34 =	vld [tilespmem:s29+$0x1030];
	v35 =	vand.u32 $0x7FFFFFFF, v25;
	(erf) = vpow2.f32 v3;
	v27 =	vmul.f32 $1.442695020e+00, v27  }
0xbb: {  	v35 =	vsub.f32 $0.0e+00, v35;
	v32 =	vmul.f32 $1.442695020e+00, v32;
	v29 =	vmul.f32 $1.442695020e+00, v29  }
0xbc: {  	v52 =	vld [tilespmem:s29+$0x1070];
	v37 =	vand.u32 $0x7FFFFFFF, v5;
	(erf) = vpow2.f32 v28;
	v26 =	vshll.u32 v26, $0x1  }
0xbd: {  	v3 =	vld [tilespmem:s29+$0x1020];
	v28 =	vmul.f32 $1.442695020e+00, v35;
	v37 =	vsub.f32 $0.0e+00, v37;
	(erf) = vpow2.f32 v27  }
0xbe: {  	v27 =	vshll.u32 v31, $0x1;
	v26 =	vsub.s32 $0x1, v26;
	(erf) = vpow2.f32 v29  }
0xbf: {  	v29 =	vshll.u32 v34, $0x1;
	v27 =	vsub.s32 $0x1, v27;
	v26 =	vcvt.s32.f32 v26  }
0xc0: {  	v34 =	vsub.s32 $0x1, v50;
	v31 =	vmul.f32 $1.442695020e+00, v37;
	(erf) = vpow2.f32 v32  }
0xc1: {  	v29 =	vsub.s32 $0x1, v29;
	v27 =	vcvt.s32.f32 v27;
	v32 =	vshll.u32 v52, $0x1  }
0xc2: {  	v36 =	vld [tilespmem:s29+$0x1040];
	v34 =	vcvt.s32.f32 v34;
	v3 =	vshll.u32 v3, $0x1;
	(erf) = vpow2.f32 v33  }
0xc3: {  	v29 =	vcvt.s32.f32 v29;
	v32 =	vsub.s32 $0x1, v32;
	v22 =	vmul.f32 v26, v22  }
0xc4: {  	v33 =	vsub.s32 $0x1, v49;
	(erf) = vpow2.f32 v28;
	v32 =	vcvt.s32.f32 v32  }
0xc5: {  	v3 =	vsub.s32 $0x1, v3;
	v33 =	vcvt.s32.f32 v33;
	v23 =	vmul.f32 v27, v23  }
0xc6: {  	v1 =	vadd.f32 v16, v0;
	v5 =	vmul.f32 v34, v5;
	v3 =	vcvt.s32.f32 v3  }
0xc7: {  	v48 =	vshll.u32 v36, $0x1;
	v6 =	vmul.f32 v29, v6;
	v30 =	vmul.f32 v32, v30  }
0xc8: {  	v23 =	vmax.f32 v23, $0.0e+00;
	v5 =	vmax.f32 v5, $0.0e+00;
	v28 =	vpop (erf);
	(erf) = vpow2.f32 v31  }
0xc9: {  	v31 =	vsub.s32 $0x1, v48;
	v3 =	vmul.f32 v3, v9;
	v9 =	vmax.f32 v22, $0.0e+00  }
0xca: {  	v6 =	vmax.f32 v6, $0.0e+00;
	v51 =	vmul.f32 $7.473614810e-02, v28;
	v36 =	vpop (erf);
	v31 =	vcvt.s32.f32 v31  }
0xcb: {  	v30 =	vmax.f32 v30, $0.0e+00;
	v53 =	vmul.f32 $7.473614810e-02, v36;
	v38 =	vpop (erf);
	v3 =	vmax.f32 v3, $0.0e+00  }
0xcc: {  	v35 =	vsub.f32 $2.546222210e-01, v51;
	v0 =	vmul.f32 $7.473614810e-02, v38;
	v39 =	vpop (erf);
	v22 =	vmul.f32 v31, v24  }
0xcd: {  	v24 =	vmul.f32 v33, v25;
	v16 =	vsub.f32 $2.546222210e-01, v53;
	v54 =	vmul.f32 $7.473614810e-02, v39;
	v40 =	vpop (erf)  }
0xce: {  	v35 =	vmul.f32 v35, v28;
	v0 =	vsub.f32 $2.546222210e-01, v0;
	v41 =	vmul.f32 $7.473614810e-02, v40;
	v42 =	vpop (erf)  }
0xcf: {  	v22 =	vmax.f32 v22, $0.0e+00;
	v43 =	vmul.f32 $7.473614810e-02, v42;
	v44 =	vpop (erf);
	v37 =	vsub.f32 $2.546222210e-01, v54  }
0xd0: {  	v60 =	vld [tilespmem:s29+$0x2000];
	v56 =	vmul.f32 v16, v36;
	v35 =	vadd.f32 $-4.866430460e-01, v35;
	v45 =	vmul.f32 $7.473614810e-02, v44  }
0xd1: {  	v61 =	vld [tilespmem:s29+$0x2010];
	v41 =	vsub.f32 $2.546222210e-01, v41;
	v0 =	vmul.f32 v0, v38;
	v43 =	vsub.f32 $2.546222210e-01, v43  }
0xd2: {  	v62 =	vld [tilespmem:s29+$0x2020];
	v57 =	vmul.f32 v37, v39;
	v59 =	vadd.f32 $-4.866430460e-01, v56;
	v35 =	vmul.f32 v35, v28;
	v47 =	vpop (erf)  }
0xd3: {  	v63 =	vld [tilespmem:s29+$0x2040];
	v55 =	vsub.f32 $2.546222210e-01, v45;
	v58 =	vmul.f32 v41, v40;
	v48 =	vmul.f32 $7.473614810e-02, v47  }
0xd4: {  	s28 =	sshll.u32 s26, $0xD;
	p0 =	seq.s32 s26, $0x3;
	v46 =	vld [tilespmem:s29+$0x2070];
	v0 =	vadd.f32 $-4.866430460e-01, v0;
	v43 =	vmul.f32 v43, v42;
	v41 =	vmul.f32 v59, v36  }
0xd5: {  	s30 =	sadd.s32 @!p0 s28, s12;
	v50 =	vld [tilespmem:s29+$0x2050];
	v35 =	vadd.f32 $9.996203780e-01, v35;
	v32 =	vmul.f32 v55, v44;
	v37 =	vadd.f32 $-4.866430460e-01, v58  }
0xd6: {  	s30 =	sshrl.u32 @!p0 s30, $0x3;
	v49 =	vld [tilespmem:s29+$0x2030];
	v0 =	vmul.f32 v0, v38;
	v43 =	vadd.f32 $-4.866430460e-01, v43;
	v41 =	vadd.f32 $9.996203780e-01, v41  }
0xd7: {  	s31 =	simm.s32 @!p0 $0x0;
	v51 =	vld [tilespmem:s29+$0x2060];
	s29 =	sadd.s32 @!p0 s5, s30;
	v16 =	vmul.f32 v35, v28;
	v28 =	vsub.f32 $2.546222210e-01, v48;
	v35 =	vadd.f32 $-4.866430460e-01, v57  }
0xd8: {  	[tilespmem:s31], [sflag:$0x1] =	stream.linear.gather @!p0 [hbm4b:s29+s31], $0x1000, $0x38;
	v32 =	vadd.f32 $-4.866430460e-01, v32;
	v37 =	vmul.f32 v37, v40;
	v43 =	vmul.f32 v43, v42;
	[tilespmem:$0x6080] =	vst v63  }
0xd9: {  	s0 =	simm.s32 @!p0 $0x1000;
	s29 =	sadd.s32 @!p0 s2, s30;
	v25 =	vmul.f32 v41, v36;
	v16 =	vadd.f32 v16, v30;
	v30 =	vcvt.s32.f32 v46  }
0xda: {  	[tilespmem:s0], [sflag:$0x1] =	stream.linear.gather @!p0 [hbm4b:s29+s31], $0x1000, $0x38;
	v0 =	vadd.f32 $9.996203780e-01, v0;
	v28 =	vmul.f32 v28, v47;
	v32 =	vmul.f32 v32, v44;
	[tilespmem:$0x6080] =	vst v63  }
0xdb: {  	s0 =	sadd.s32 @!p0 s3, s30;
	s29 =	simm.s32 @!p0 $0x2000;
	v26 =	vadd.f32 $9.996203780e-01, v37;
	v43 =	vadd.f32 $9.996203780e-01, v43;
	v30 =	vmul.f32 v30, v16  }
0xdc: {  	[tilespmem:s29], [sflag:$0x1] =	stream.linear.gather @!p0 [hbm4b:s0+s31], $0x1000, $0x38;
	v0 =	vmul.f32 v0, v38;
	v9 =	vadd.f32 v25, v9;
	v28 =	vadd.f32 $-4.866430460e-01, v28;
	[tilespmem:$0x6080] =	vst v63  }
0xdd: {  	_ =	swait.ge [sflag:s22], $0x1000;
	v25 =	vcvt.s32.f32 v60;
	v15 =	vadd.f32 v30, v15;
	v30 =	vmul.f32 v35, v39  }
0xde: {  	[sflag:s22] =	ssyncset.done $0x0;
	v27 =	vadd.f32 $9.996203780e-01, v32;
	v0 =	vadd.f32 v0, v23;
	v28 =	vmul.f32 v28, v47  }
0xdf: {  	[sflag:s22] =	ssyncadd.s32 $0xFFFFF000;
	v26 =	vmul.f32 v26, v40;
	v23 =	vadd.f32 v9, v13;
	v30 =	vadd.f32 $9.996203780e-01, v30  }
0xe0: {  	_ =	swait.ge [sflag:s22], $0x1000;
	v13 =	vcvt.s32.f32 v50;
	v27 =	vmul.f32 v27, v44;
	v28 =	vadd.f32 $9.996203780e-01, v28  }
0xe1: {  	[sflag:s22] =	ssyncset.done $0x0;
	v26 =	vadd.f32 v26, v6;
	v6 =	vcvt.s32.f32 v61;
	v29 =	vmul.f32 v30, v39  }
0xe2: {  	v24 =	vmax.f32 v24, $0.0e+00;
	[sflag:s22] =	ssyncadd.s32 $0xFFFFF000;
	v30 =	vmul.f32 v43, v42;
	v28 =	vmul.f32 v28, v47  }
0xe3: {  	_ =	swait.ge [sflag:s22], $0x1000;
	v27 =	vadd.f32 v27, v24;
	v24 =	vcvt.s32.f32 v62;
	v3 =	vadd.f32 v29, v3  }
0xe4: {  	[sflag:s22] =	ssyncset.done $0x0;
	v29 =	vadd.f32 v30, v22;
	v30 =	vcvt.s32.f32 v49;
	v28 =	vadd.f32 v28, v5  }
0xe5: {  	s29 =	simm.s32 $0x0;
	[sflag:s22] =	ssyncadd.s32 $0xFFFFF000;
	v5 =	vcvt.s32.f32 v63;
	v22 =	vadd.f32 v0, v14;
	v0 =	vmul.f32 v6, v0  }
0xe6: {  	v25 =	vmul.f32 v25, v9;
	v31 =	vld [tilespmem:s29+$0x3070];
	v9 =	vadd.f32 v3, v10;
	v3 =	vmul.f32 v24, v3  }
0xe7: {  	v6 =	vmul.f32 v30, v26;
	v24 =	vmul.f32 v5, v29;
	v5 =	vadd.f32 v0, v18;
	v18 =	vld [tilespmem:s29+$0x3000]  }
0xe8: {  	v14 =	vcvt.s32.f32 v51;
	v30 =	vld [tilespmem:s29+$0x4020]  }
0xe9: {  	v10 =	vadd.f32 v25, v12;
	v0 =	vmul.f32 v13, v27;
	v6 =	vadd.f32 v6, v19;
	v19 =	vld [tilespmem:s29+$0x3010]  }
0xea: {  	v13 =	vmul.f32 v14, v28;
	v12 =	vadd.f32 v3, v11;
	v11 =	vadd.f32 v24, v7;
	v24 =	vld [tilespmem:s29+$0x3030]  }
0xeb: {  	v7 =	vadd.f32 v0, v4;
	v3 =	vadd.f32 v29, v20;
	v20 =	vld [tilespmem:s29+$0x3040]  }
0xec: {  	v4 =	vadd.f32 v13, v2;
	v0 =	vand.u32 $0x7FFFFFFF, v31;
	v2 =	vadd.f32 v27, v21;
	v27 =	vld [tilespmem:s29+$0x4000]  }
0xed: {  	v1 =	vadd.f32 v16, v1;
	v14 =	vld [tilespmem:s29+$0x3020];
	v13 =	vsub.f32 $0.0e+00, v0  }
0xee: {  	v8 =	vadd.f32 v26, v8;
	v0 =	vadd.f32 v28, v17  }
0xef: {  	v17 =	vld [tilespmem:s29+$0x3050];
	v21 =	vand.u32 $0x7FFFFFFF, v18;
	v13 =	vmul.f32 $1.442695020e+00, v13;
	v30 =	vshll.u32 v30, $0x1  }
0xf0: {  	v25 =	vsub.f32 $0.0e+00, v21;
	v26 =	vand.u32 $0x7FFFFFFF, v19;
	v28 =	vand.u32 $0x7FFFFFFF, v24  }
0xf1: {  	v21 =	vld [tilespmem:s29+$0x3060];
	(erf) = vpow2.f32 v13;
	v29 =	vand.u32 $0x7FFFFFFF, v20;
	v27 =	vshll.u32 v27, $0x1  }
0xf2: {  	v16 =	vsub.f32 $0.0e+00, v26;
	v26 =	vand.u32 $0x7FFFFFFF, v14;
	v25 =	vmul.f32 $1.442695020e+00, v25  }
0xf3: {  	v13 =	vld [tilespmem:s29+$0x4010];
	v28 =	vsub.f32 $0.0e+00, v28;
	v29 =	vsub.f32 $0.0e+00, v29;
	v27 =	vsub.s32 $0x1, v27  }
0xf4: {  	v49 =	vand.u32 $0x7FFFFFFF, v17;
	v26 =	vsub.f32 $0.0e+00, v26;
	v27 =	vcvt.s32.f32 v27  }
0xf5: {  	v50 =	vld [tilespmem:s29+$0x4030];
	v32 =	vsub.f32 $0.0e+00, v49;
	v16 =	vmul.f32 $1.442695020e+00, v16;
	v28 =	vmul.f32 $1.442695020e+00, v28  }
0xf6: {  	v51 =	vld [tilespmem:s29+$0x4040];
	v29 =	vmul.f32 $1.442695020e+00, v29;
	(erf) = vpow2.f32 v25;
	v52 =	vand.u32 $0x7FFFFFFF, v21  }
0xf7: {  	v25 =	vld [tilespmem:s29+$0x4050];
	v26 =	vmul.f32 $1.442695020e+00, v26;
	v18 =	vmul.f32 v27, v18;
	v35 =	vsub.f32 $0.0e+00, v52  }
0xf8: {  	(erf) = vpow2.f32 v16;
	v16 =	vmul.f32 $1.442695020e+00, v32;
	v13 =	vshll.u32 v13, $0x1  }
0xf9: {  	(erf) = vpow2.f32 v26;
	v13 =	vsub.s32 $0x1, v13;
	v18 =	vmax.f32 v18, $0.0e+00  }
0xfa: {  	v53 =	vld [tilespmem:s29+$0x4060];
	v26 =	vmul.f32 $1.442695020e+00, v35;
	(erf) = vpow2.f32 v28;
	v28 =	vshll.u32 v50, $0x1  }
0xfb: {  	v32 =	vcvt.s32.f32 v13;
	(erf) = vpow2.f32 v29;
	v29 =	vshll.u32 v51, $0x1  }
0xfc: {  	v25 =	vshll.u32 v25, $0x1;
	v28 =	vsub.s32 $0x1, v28;
	(erf) = vpow2.f32 v16  }
0xfd: {  	v13 =	vld [tilespmem:s29+$0x4070];
	v16 =	vpop (erf);
	v29 =	vsub.s32 $0x1, v29;
	v28 =	vcvt.s32.f32 v28;
	v19 =	vmul.f32 v32, v19  }
0xfe: {  	v25 =	vsub.s32 $0x1, v25;
	v54 =	vmul.f32 $7.473614810e-02, v16;
	(erf) = vpow2.f32 v26  }
0xff: {  	v26 =	vsub.s32 $0x1, v30;
	v30 =	vshll.u32 v53, $0x1;
	v29 =	vcvt.s32.f32 v29  }
0x100: {  	v25 =	vcvt.s32.f32 v25;
	v26 =	vcvt.s32.f32 v26;
	v30 =	vsub.s32 $0x1, v30  }
0x101: {  	v24 =	vmul.f32 v28, v24;
	v19 =	vmax.f32 v19, $0.0e+00;
	v33 =	vsub.f32 $2.546222210e-01, v54  }
0x102: {  	v34 =	vpop (erf);
	v13 =	vshll.u32 v13, $0x1;
	v30 =	vcvt.s32.f32 v30;
	v20 =	vmul.f32 v29, v20  }
0x103: {  	v17 =	vmul.f32 v25, v17;
	v55 =	vmul.f32 $7.473614810e-02, v34;
	v13 =	vsub.s32 $0x1, v13  }
0x104: {  	v14 =	vmul.f32 v26, v14;
	v24 =	vmax.f32 v24, $0.0e+00;
	v33 =	vmul.f32 v33, v16  }
0x105: {  	v36 =	vpop (erf);
	v13 =	vcvt.s32.f32 v13;
	v21 =	vmul.f32 v30, v21;
	v20 =	vmax.f32 v20, $0.0e+00  }
0x106: {  	v17 =	vmax.f32 v17, $0.0e+00;
	v56 =	vmul.f32 $7.473614810e-02, v36;
	v38 =	vpop (erf);
	v35 =	vsub.f32 $2.546222210e-01, v55  }
0x107: {  	v14 =	vmax.f32 v14, $0.0e+00;
	v57 =	vmul.f32 $7.473614810e-02, v38;
	v33 =	vadd.f32 $-4.866430460e-01, v33;
	v40 =	vpop (erf)  }
0x108: {  	v13 =	vmul.f32 v13, v31;
	v21 =	vmax.f32 v21, $0.0e+00;
	v58 =	vmul.f32 $7.473614810e-02, v40;
	v42 =	vpop (erf)  }
0x109: {  	v37 =	vsub.f32 $2.546222210e-01, v56;
	v31 =	vmul.f32 v35, v34;
	v59 =	vmul.f32 $7.473614810e-02, v42  }
0x10a: {  	v33 =	vmul.f32 v33, v16;
	v44 =	vpop (erf);
	v39 =	vsub.f32 $2.546222210e-01, v57;
	v13 =	vmax.f32 v13, $0.0e+00  }
0x10b: {  	v61 =	vld [tilespmem:s29+$0x5070];
	v60 =	vmul.f32 $7.473614810e-02, v44;
	v62 =	vpop (erf);
	v41 =	vsub.f32 $2.546222210e-01, v58;
	v51 =	vmul.f32 v37, v36  }
0x10c: {  	v31 =	vadd.f32 $-4.866430460e-01, v31;
	v63 =	vmul.f32 $7.473614810e-02, v62;
	v33 =	vadd.f32 $9.996203780e-01, v33  }
0x10d: {  	v43 =	vsub.f32 $2.546222210e-01, v59;
	v52 =	vmul.f32 v39, v38;
	v45 =	vsub.f32 $2.546222210e-01, v60  }
0x10e: {  	v53 =	vmul.f32 v41, v40;
	v31 =	vmul.f32 v31, v34;
	v50 =	vsub.f32 $2.546222210e-01, v63  }
0x10f: {  	v16 =	vmul.f32 v33, v16;
	v54 =	vmul.f32 v43, v42;
	v33 =	vadd.f32 $-4.866430460e-01, v51  }
0x110: {  	v37 =	vadd.f32 $-4.866430460e-01, v52;
	v55 =	vmul.f32 v45, v44;
	v39 =	vadd.f32 $-4.866430460e-01, v53  }
0x111: {  	v31 =	vadd.f32 $9.996203780e-01, v31;
	v16 =	vadd.f32 v16, v13;
	v13 =	vcvt.s32.f32 v61  }
0x112: {  	v35 =	vmul.f32 v50, v62;
	v33 =	vmul.f32 v33, v36;
	v41 =	vadd.f32 $-4.866430460e-01, v54  }
0x113: {  	v26 =	vld [tilespmem:s29+$0x5010];
	v56 =	vadd.f32 $-4.866430460e-01, v55;
	v39 =	vmul.f32 v39, v40;
	v25 =	vmul.f32 v31, v34  }
0x114: {  	v13 =	vmul.f32 v13, v16;
	v35 =	vadd.f32 $-4.866430460e-01, v35;
	v33 =	vadd.f32 $9.996203780e-01, v33  }
0x115: {  	v59 =	vld [tilespmem:s29+$0x5000];
	v41 =	vmul.f32 v41, v42;
	v27 =	vadd.f32 $9.996203780e-01, v39;
	v63 =	vadd.f32 v25, v18  }
0x116: {  	v28 =	vld [tilespmem:s29+$0x5020];
	v13 =	vadd.f32 v13, v15;
	v15 =	vmul.f32 v37, v38;
	v35 =	vmul.f32 v35, v62  }
0x117: {  	v29 =	vld [tilespmem:s29+$0x5030];
	v37 =	vmul.f32 v56, v44;
	v57 =	vadd.f32 $9.996203780e-01, v41;
	v30 =	vmul.f32 v33, v36  }
0x118: {  	v61 =	vld [tilespmem:s29+$0x5050];
	v33 =	vcvt.s32.f32 v26;
	v27 =	vmul.f32 v27, v40;
	v35 =	vadd.f32 $9.996203780e-01, v35  }
0x119: {  	v31 =	vld [tilespmem:s29+$0x5040];
	v15 =	vadd.f32 $9.996203780e-01, v15;
	v58 =	vadd.f32 $9.996203780e-01, v37;
	v60 =	vmul.f32 v57, v42  }
0x11a: {  	v18 =	vadd.f32 v30, v19;
	v30 =	vcvt.s32.f32 v59;
	v35 =	vmul.f32 v35, v62;
	v62 =	vld [tilespmem:s29+$0x5060]  }
0x11b: {  	v25 =	vadd.f32 v27, v24;
	v15 =	vmul.f32 v15, v38;
	v32 =	vmul.f32 v58, v44  }
0x11c: {  	v27 =	vcvt.s32.f32 v28;
	v24 =	vadd.f32 v60, v20;
	v20 =	vcvt.s32.f32 v29  }
0x11d: {  	v28 =	vmul.f32 v30, v63;
	v19 =	vadd.f32 v15, v14;
	v26 =	vadd.f32 v32, v17  }
0x11e: {  	v17 =	vadd.f32 v35, v21;
	v14 =	vadd.f32 v63, v23;
	v23 =	vcvt.s32.f32 v31  }
0x11f: {  	s30 =	simm.s32 $0x400;
	s29 =	simm.s32 $0x80;
	v21 =	vcvt.s32.f32 v61;
	v15 =	vadd.f32 v18, v22;
	v22 =	vcvt.s32.f32 v62  }
.LBB2_5:
0x120: {  	p1 =	sne.s32 s30, $0x3E00;
	v30 =	vld [tilespmem:s29+$0x3070];
	v29 =	vmul.f32 v33, v18;
	v9 =	vadd.f32 v19, v9;
	v27 =	vmul.f32 v27, v19  }
0x121: {  	v23 =	vmul.f32 v23, v24;
	v18 =	vld [tilespmem:s29+$0x3000];
	v10 =	vadd.f32 v28, v10;
	v28 =	vmul.f32 v20, v25  }
0x122: {  	v31 =	vmul.f32 v22, v17;
	v19 =	vld [tilespmem:s29+$0x3010];
	v5 =	vadd.f32 v29, v5;
	v29 =	vmul.f32 v21, v26  }
0x123: {  	v12 =	vadd.f32 v27, v12;
	v20 =	vld [tilespmem:s29+$0x3020];
	v6 =	vadd.f32 v28, v6  }
0x124: {  	v11 =	vadd.f32 v23, v11;
	v21 =	vld [tilespmem:s29+$0x3030];
	v7 =	vadd.f32 v29, v7  }
0x125: {  	v8 =	vadd.f32 v25, v8;
	v4 =	vadd.f32 v31, v4;
	v22 =	vld [tilespmem:s29+$0x3040];
	v27 =	vand.u32 $0x7FFFFFFF, v30  }
0x126: {  	v3 =	vadd.f32 v24, v3;
	v25 =	vand.u32 $0x7FFFFFFF, v18;
	v23 =	vld [tilespmem:s29+$0x3050];
	v27 =	vsub.f32 $0.0e+00, v27  }
0x127: {  	v2 =	vadd.f32 v26, v2;
	v25 =	vsub.f32 $0.0e+00, v25;
	v28 =	vand.u32 $0x7FFFFFFF, v19;
	v24 =	vld [tilespmem:s29+$0x3060]  }
0x128: {  	v26 =	vld [tilespmem:s29+$0x4000];
	v28 =	vsub.f32 $0.0e+00, v28;
	v29 =	vand.u32 $0x7FFFFFFF, v20;
	v27 =	vmul.f32 $1.442695020e+00, v27  }
0x129: {  	v25 =	vmul.f32 $1.442695020e+00, v25;
	v31 =	vld [tilespmem:s29+$0x4010];
	v29 =	vsub.f32 $0.0e+00, v29;
	v32 =	vand.u32 $0x7FFFFFFF, v21  }
0x12a: {  	v33 =	vld [tilespmem:s29+$0x4020];
	v32 =	vsub.f32 $0.0e+00, v32;
	v34 =	vand.u32 $0x7FFFFFFF, v22;
	(erf) = vpow2.f32 v27  }
0x12b: {  	v27 =	vmul.f32 $1.442695020e+00, v28;
	v28 =	vld [tilespmem:s29+$0x4030];
	v34 =	vsub.f32 $0.0e+00, v34;
	v35 =	vand.u32 $0x7FFFFFFF, v23  }
0x12c: {  	v29 =	vmul.f32 $1.442695020e+00, v29;
	v36 =	vld [tilespmem:s29+$0x4040];
	v35 =	vsub.f32 $0.0e+00, v35;
	v37 =	vand.u32 $0x7FFFFFFF, v24  }
0x12d: {  	v32 =	vmul.f32 $1.442695020e+00, v32;
	v34 =	vmul.f32 $1.442695020e+00, v34;
	v38 =	vld [tilespmem:s29+$0x4050];
	v37 =	vsub.f32 $0.0e+00, v37  }
0x12e: {  	v39 =	vshll.u32 v26, $0x1;
	v35 =	vmul.f32 $1.442695020e+00, v35;
	v40 =	vld [tilespmem:s29+$0x4060];
	(erf) = vpow2.f32 v25  }
0x12f: {  	v31 =	vshll.u32 v31, $0x1;
	v25 =	vld [tilespmem:s29+$0x5000];
	v37 =	vmul.f32 $1.442695020e+00, v37;
	(erf) = vpow2.f32 v27  }
0x130: {  	v33 =	vshll.u32 v33, $0x1;
	v26 =	vld [tilespmem:s29+$0x5010];
	v41 =	vshll.u32 v28, $0x1;
	(erf) = vpow2.f32 v29  }
0x131: {  	v39 =	vsub.s32 $0x1, v39;
	v27 =	vld [tilespmem:s29+$0x5020];
	v36 =	vshll.u32 v36, $0x1;
	(erf) = vpow2.f32 v32  }
0x132: {  	v42 =	vsub.s32 $0x1, v31;
	v28 =	vld [tilespmem:s29+$0x5030];
	v32 =	vshll.u32 v38, $0x1;
	(erf) = vpow2.f32 v34  }
0x133: {  	v33 =	vsub.s32 $0x1, v33;
	v29 =	vld [tilespmem:s29+$0x5040];
	v34 =	vshll.u32 v40, $0x1;
	(erf) = vpow2.f32 v35;
	v35 =	vpop (erf)  }
0x134: {  	v38 =	vsub.s32 $0x1, v41;
	v31 =	vld [tilespmem:s29+$0x5050];
	v40 =	vmul.f32 $7.473614810e-02, v35;
	(erf) = vpow2.f32 v37  }
0x135: {  	v36 =	vsub.s32 $0x1, v36;
	v37 =	vsub.s32 $0x1, v32;
	v34 =	vsub.s32 $0x1, v34;
	v32 =	vld [tilespmem:s29+$0x5060]  }
0x136: {  	v39 =	vcvt.s32.f32 v39;
	v41 =	vcvt.s32.f32 v42;
	v42 =	vld [tilespmem:s29+$0x4070];
	v40 =	vsub.f32 $2.546222210e-01, v40  }
0x137: {  	v0 =	vadd.f32 v17, v0;
	v33 =	vcvt.s32.f32 v33;
	v38 =	vcvt.s32.f32 v38;
	v43 =	vpop (erf)  }
0x138: {  	v1 =	vadd.f32 v16, v1;
	v17 =	vmul.f32 $7.473614810e-02, v43;
	v40 =	vmul.f32 v40, v35;
	v44 =	vpop (erf)  }
0x139: {  	v36 =	vcvt.s32.f32 v36;
	v16 =	vmul.f32 $7.473614810e-02, v44;
	v45 =	vpop (erf)  }
0x13a: {  	v17 =	vsub.f32 $2.546222210e-01, v17;
	v46 =	vmul.f32 $7.473614810e-02, v45;
	v40 =	vadd.f32 $-4.866430460e-01, v40;
	v47 =	vpop (erf)  }
0x13b: {  	v16 =	vsub.f32 $2.546222210e-01, v16;
	v48 =	vmul.f32 $7.473614810e-02, v47;
	v42 =	vshll.u32 v42, $0x1;
	v49 =	vpop (erf)  }
0x13c: {  	v50 =	vmul.f32 $7.473614810e-02, v49;
	v42 =	vsub.s32 $0x1, v42;
	v40 =	vmul.f32 v40, v35;
	v51 =	vpop (erf)  }
0x13d: {  	v46 =	vsub.f32 $2.546222210e-01, v46;
	v52 =	vmul.f32 $7.473614810e-02, v51;
	v53 =	vld [tilespmem:s29+$0x5070];
	v42 =	vcvt.s32.f32 v42;
	v54 =	vpop (erf)  }
0x13e: {  	v48 =	vsub.f32 $2.546222210e-01, v48;
	v55 =	vmul.f32 $7.473614810e-02, v54;
	v40 =	vadd.f32 $9.996203780e-01, v40  }
0x13f: {  	v50 =	vsub.f32 $2.546222210e-01, v50;
	v52 =	vsub.f32 $2.546222210e-01, v52;
	v30 =	vmul.f32 v42, v30  }
0x140: {  	v17 =	vmul.f32 v17, v43;
	v42 =	vsub.f32 $2.546222210e-01, v55;
	v35 =	vmul.f32 v40, v35  }
0x141: {  	v46 =	vmul.f32 v46, v45;
	v40 =	vmul.f32 v16, v44;
	v16 =	vmax.f32 v30, $0.0e+00  }
0x142: {  	v30 =	vmul.f32 v48, v47;
	v16 =	vadd.f32 v35, v16;
	v35 =	vcvt.s32.f32 v53  }
0x143: {  	v17 =	vadd.f32 $-4.866430460e-01, v17;
	v48 =	vmul.f32 v50, v49;
	v50 =	vmul.f32 v52, v51  }
0x144: {  	v40 =	vadd.f32 $-4.866430460e-01, v40;
	v42 =	vmul.f32 v42, v54;
	v35 =	vmul.f32 v35, v16  }
0x145: {  	v17 =	vmul.f32 v17, v43;
	v46 =	vadd.f32 $-4.866430460e-01, v46;
	v30 =	vadd.f32 $-4.866430460e-01, v30  }
0x146: {  	v48 =	vadd.f32 $-4.866430460e-01, v48;
	v40 =	vmul.f32 v40, v44;
	v13 =	vadd.f32 v35, v13  }
0x147: {  	v42 =	vadd.f32 $-4.866430460e-01, v42;
	v35 =	vmul.f32 v46, v45;
	v46 =	vadd.f32 $-4.866430460e-01, v50  }
0x148: {  	v17 =	vadd.f32 $9.996203780e-01, v17;
	v30 =	vmul.f32 v30, v47;
	v48 =	vmul.f32 v48, v49  }
0x149: {  	v40 =	vadd.f32 $9.996203780e-01, v40;
	v42 =	vmul.f32 v42, v54;
	v46 =	vmul.f32 v46, v51  }
0x14a: {  	v37 =	vcvt.s32.f32 v37;
	v34 =	vcvt.s32.f32 v34;
	v35 =	vadd.f32 $9.996203780e-01, v35  }
0x14b: {  	v18 =	vmul.f32 v39, v18;
	v30 =	vadd.f32 $9.996203780e-01, v30;
	v39 =	vadd.f32 $9.996203780e-01, v48  }
0x14c: {  	v19 =	vmul.f32 v41, v19;
	v42 =	vadd.f32 $9.996203780e-01, v42;
	v41 =	vadd.f32 $9.996203780e-01, v46  }
0x14d: {  	v18 =	vmax.f32 v18, $0.0e+00;
	v20 =	vmul.f32 v33, v20;
	v21 =	vmul.f32 v38, v21  }
0x14e: {  	v22 =	vmul.f32 v36, v22;
	v19 =	vmax.f32 v19, $0.0e+00;
	v23 =	vmul.f32 v37, v23  }
0x14f: {  	v20 =	vmax.f32 v20, $0.0e+00;
	v24 =	vmul.f32 v34, v24;
	v17 =	vmul.f32 v17, v43  }
0x150: {  	v21 =	vmax.f32 v21, $0.0e+00;
	v33 =	vmul.f32 v40, v44;
	v34 =	vmul.f32 v35, v45  }
0x151: {  	v22 =	vmax.f32 v22, $0.0e+00;
	v30 =	vmul.f32 v30, v47;
	v35 =	vmul.f32 v39, v49  }
0x152: {  	v23 =	vmax.f32 v23, $0.0e+00;
	v37 =	vmul.f32 v42, v54;
	v36 =	vmul.f32 v41, v51  }
0x153: {  	v38 =	vadd.f32 v17, v18;
	v17 =	vmax.f32 v24, $0.0e+00;
	v18 =	vadd.f32 v33, v19  }
.Ltmp3:
0x154: {  	v39 =	vcvt.s32.f32 v25;
	v25 =	vadd.f32 v30, v21;
	v19 =	vadd.f32 v34, v20;
	(pc) =	sbr.rel @p1 .LBB2_5-.Ltmp3, $4  }
0x155: {  	v33 =	vcvt.s32.f32 v26;
	v24 =	vadd.f32 v35, v22;
	v26 =	vadd.f32 v36, v23  }
0x156: {  	v27 =	vcvt.s32.f32 v27;
	v20 =	vcvt.s32.f32 v28;
	v17 =	vadd.f32 v37, v17  }
0x157: {  	v14 =	vadd.f32 v38, v14;
	v21 =	vcvt.s32.f32 v31;
	v23 =	vcvt.s32.f32 v29  }
0x158: {  	s29 =	sshra.s32 s30, $0x2;
	s30 =	sadd.s32 $0x200, s30;
	v28 =	vmul.f32 v39, v38;
	v15 =	vadd.f32 v18, v15;
	v22 =	vcvt.s32.f32 v32  }
0x159: {  	v29 =	vld [tilespmem:s29+$0x3070]  }
0x15a: {  	v30 =	vmul.f32 v33, v18;
	v18 =	vld [tilespmem:s29+$0x3000]  }
0x15b: {  	v33 =	vmul.f32 v20, v25;
	v8 =	vadd.f32 v25, v8;
	v25 =	vld [tilespmem:s29+$0x3060]  }
0x15c: {  	v41 =	vld [tilespmem:s29+$0x4000]  }
0x15d: {  	v9 =	vadd.f32 v19, v9;
	v27 =	vmul.f32 v27, v19;
	v3 =	vadd.f32 v24, v3;
	v46 =	vld [tilespmem:s29+$0x4060]  }
0x15e: {  	v23 =	vmul.f32 v23, v24;
	v24 =	vadd.f32 v26, v2;
	v19 =	vadd.f32 v28, v10;
	v10 =	vld [tilespmem:s29+$0x3010]  }
0x15f: {  	v34 =	vmul.f32 v21, v26;
	v20 =	vadd.f32 v30, v5;
	v5 =	vadd.f32 v27, v12;
	v12 =	vld [tilespmem:s29+$0x3020]  }
0x160: {  	v0 =	vadd.f32 v17, v0;
	v35 =	vmul.f32 v22, v17;
	v21 =	vadd.f32 v23, v11;
	v11 =	vld [tilespmem:s29+$0x3030]  }
0x161: {  	v16 =	vadd.f32 v16, v1;
	v22 =	vadd.f32 v34, v7;
	v7 =	vld [tilespmem:s29+$0x3040]  }
0x162: {  	v6 =	vadd.f32 v33, v6;
	v34 =	vld [tilespmem:s29+$0x4030];
	v23 =	vadd.f32 v35, v4  }
0x163: {  	v36 =	vand.u32 $0x7FFFFFFF, v29;
	v37 =	vand.u32 $0x7FFFFFFF, v18;
	v26 =	vshll.u32 v41, $0x1  }
0x164: {  	v53 =	vshll.u32 v46, $0x1;
	v38 =	vsub.f32 $0.0e+00, v36;
	v39 =	vsub.f32 $0.0e+00, v37  }
0x165: {  	v40 =	vand.u32 $0x7FFFFFFF, v10;
	v37 =	vand.u32 $0x7FFFFFFF, v25;
	v26 =	vsub.s32 $0x1, v26  }
0x166: {  	v42 =	vsub.f32 $0.0e+00, v40;
	v43 =	vand.u32 $0x7FFFFFFF, v12;
	v32 =	vand.u32 $0x7FFFFFFF, v11  }
0x167: {  	v4 =	vld [tilespmem:s29+$0x3050];
	v44 =	vand.u32 $0x7FFFFFFF, v7;
	v37 =	vsub.f32 $0.0e+00, v37;
	v49 =	vshll.u32 v34, $0x1  }
0x168: {  	v46 =	vld [tilespmem:s29+$0x5070];
	v26 =	vcvt.s32.f32 v26;
	v34 =	vsub.s32 $0x1, v53;
	v2 =	vmul.f32 $1.442695020e+00, v38  }
0x169: {  	v31 =	vld [tilespmem:s29+$0x4010];
	v28 =	vmul.f32 $1.442695020e+00, v39;
	v30 =	vsub.f32 $0.0e+00, v43;
	v34 =	vcvt.s32.f32 v34  }
0x16a: {  	v36 =	vld [tilespmem:s29+$0x4040];
	v32 =	vsub.f32 $0.0e+00, v32;
	v27 =	vmul.f32 $1.442695020e+00, v42;
	v48 =	vmul.f32 $1.442695020e+00, v37  }
0x16b: {  	v33 =	vsub.f32 $0.0e+00, v44;
	v18 =	vmul.f32 v26, v18;
	(erf) = vpow2.f32 v2  }
0x16c: {  	v56 =	vld [tilespmem:s29+$0x4070];
	v35 =	vand.u32 $0x7FFFFFFF, v4;
	v30 =	vmul.f32 $1.442695020e+00, v30;
	v32 =	vmul.f32 $1.442695020e+00, v32  }
0x16d: {  	v38 =	vld [tilespmem:s29+$0x4050];
	v35 =	vsub.f32 $0.0e+00, v35;
	v33 =	vmul.f32 $1.442695020e+00, v33;
	v62 =	vcvt.s32.f32 v46  }
0x16e: {  	v47 =	vshll.u32 v31, $0x1;
	v2 =	vld [tilespmem:s29+$0x4020];
	v25 =	vmul.f32 v34, v25;
	(erf) = vpow2.f32 v28  }
0x16f: {  	v45 =	vmul.f32 $1.442695020e+00, v35;
	v50 =	vshll.u32 v36, $0x1;
	(erf) = vpow2.f32 v27  }
0x170: {  	v27 =	vsub.s32 $0x1, v47;
	v55 =	vsub.s32 $0x1, v50;
	(erf) = vpow2.f32 v30  }
0x171: {  	v30 =	vsub.s32 $0x1, v49;
	v27 =	vcvt.s32.f32 v27;
	v31 =	vcvt.s32.f32 v55  }
0x172: {  	v51 =	vshll.u32 v38, $0x1;
	(erf) = vpow2.f32 v32;
	v30 =	vcvt.s32.f32 v30  }
0x173: {  	v32 =	vshll.u32 v56, $0x1;
	v2 =	vshll.u32 v2, $0x1;
	(erf) = vpow2.f32 v33  }
0x174: {  	v32 =	vsub.s32 $0x1, v32;
	v10 =	vmul.f32 v27, v10;
	v7 =	vmul.f32 v31, v7  }
0x175: {  	v33 =	vsub.s32 $0x1, v51;
	(erf) = vpow2.f32 v45;
	v32 =	vcvt.s32.f32 v32  }
0x176: {  	v2 =	vsub.s32 $0x1, v2;
	v33 =	vcvt.s32.f32 v33;
	v11 =	vmul.f32 v30, v11  }
0x177: {  	v18 =	vmax.f32 v18, $0.0e+00;
	v2 =	vcvt.s32.f32 v2;
	v29 =	vmul.f32 v32, v29  }
0x178: {  	v10 =	vmax.f32 v10, $0.0e+00;
	v4 =	vmul.f32 v33, v4;
	v52 =	vpop (erf);
	(erf) = vpow2.f32 v48  }
0x179: {  	v7 =	vmax.f32 v7, $0.0e+00;
	v2 =	vmul.f32 v2, v12;
	v12 =	vld [tilespmem:s29+$0x5000];
	v54 =	vmul.f32 $7.473614810e-02, v52;
	v57 =	vpop (erf)  }
0x17a: {  	v11 =	vmax.f32 v11, $0.0e+00;
	v29 =	vmax.f32 v29, $0.0e+00;
	v58 =	vmul.f32 $7.473614810e-02, v57;
	v59 =	vpop (erf)  }
0x17b: {  	v4 =	vmax.f32 v4, $0.0e+00;
	v35 =	vsub.f32 $2.546222210e-01, v54;
	v1 =	vmul.f32 $7.473614810e-02, v59;
	v17 =	vpop (erf)  }
0x17c: {  	v2 =	vmax.f32 v2, $0.0e+00;
	v37 =	vsub.f32 $2.546222210e-01, v58;
	v39 =	vmul.f32 $7.473614810e-02, v17;
	v40 =	vpop (erf)  }
0x17d: {  	v35 =	vmul.f32 v35, v52;
	v1 =	vsub.f32 $2.546222210e-01, v1;
	v41 =	vmul.f32 $7.473614810e-02, v40;
	v42 =	vpop (erf)  }
0x17e: {  	v12 =	vcvt.s32.f32 v12;
	v43 =	vmul.f32 $7.473614810e-02, v42;
	v44 =	vpop (erf);
	v39 =	vsub.f32 $2.546222210e-01, v39  }
0x17f: {  	v37 =	vmul.f32 v37, v57;
	v35 =	vadd.f32 $-4.866430460e-01, v35;
	v45 =	vmul.f32 $7.473614810e-02, v44  }
0x180: {  	v41 =	vsub.f32 $2.546222210e-01, v41;
	v1 =	vmul.f32 v1, v59;
	v43 =	vsub.f32 $2.546222210e-01, v43  }
0x181: {  	v39 =	vmul.f32 v39, v17;
	v37 =	vadd.f32 $-4.866430460e-01, v37;
	v35 =	vmul.f32 v35, v52;
	v47 =	vpop (erf)  }
0x182: {  	v60 =	vsub.f32 $2.546222210e-01, v45;
	v41 =	vmul.f32 v41, v40;
	v48 =	vmul.f32 $7.473614810e-02, v47  }
0x183: {  	v1 =	vadd.f32 $-4.866430460e-01, v1;
	v43 =	vmul.f32 v43, v42;
	v37 =	vmul.f32 v37, v57  }
0x184: {  	v39 =	vadd.f32 $-4.866430460e-01, v39;
	v35 =	vadd.f32 $9.996203780e-01, v35;
	v32 =	vmul.f32 v60, v44  }
0x185: {  	v41 =	vadd.f32 $-4.866430460e-01, v41;
	v1 =	vmul.f32 v1, v59;
	v61 =	vsub.f32 $2.546222210e-01, v48  }
0x186: {  	v43 =	vadd.f32 $-4.866430460e-01, v43;
	v63 =	vmul.f32 v39, v17;
	v37 =	vadd.f32 $9.996203780e-01, v37  }
0x187: {  	v28 =	vmul.f32 v35, v52;
	v32 =	vadd.f32 $-4.866430460e-01, v32;
	v45 =	vmul.f32 v41, v40  }
0x188: {  	v56 =	vld [tilespmem:s29+$0x5040];
	v1 =	vadd.f32 $9.996203780e-01, v1;
	v35 =	vmul.f32 v61, v47;
	v46 =	vmul.f32 v43, v42  }
0x189: {  	v53 =	vmul.f32 v37, v57;
	v28 =	vadd.f32 v28, v29;
	v32 =	vmul.f32 v32, v44  }
0x18a: {  	v48 =	vadd.f32 $9.996203780e-01, v45;
	v1 =	vmul.f32 v1, v59;
	v35 =	vadd.f32 $-4.866430460e-01, v35  }
0x18b: {  	v58 =	vld [tilespmem:s29+$0x5050];
	v49 =	vadd.f32 $9.996203780e-01, v46;
	v31 =	vadd.f32 v53, v18;
	v18 =	vmax.f32 v25, $0.0e+00  }
0x18c: {  	v55 =	vld [tilespmem:s29+$0x5030];
	v29 =	vmul.f32 v62, v28;
	v50 =	vadd.f32 $9.996203780e-01, v32;
	v26 =	vmul.f32 v48, v40  }
0x18d: {  	v54 =	vld [tilespmem:s29+$0x5020];
	v1 =	vadd.f32 v1, v10;
	v62 =	vcvt.s32.f32 v56;
	v35 =	vmul.f32 v35, v47  }
0x18e: {  	v52 =	vld [tilespmem:s29+$0x5010];
	v57 =	vmul.f32 v49, v42;
	v13 =	vadd.f32 v29, v13;
	v29 =	vadd.f32 $9.996203780e-01, v63  }
0x18f: {  	v10 =	vld [tilespmem:s29+$0x5060];
	v12 =	vmul.f32 v12, v31;
	v27 =	vmul.f32 v50, v44;
	v51 =	vadd.f32 $9.996203780e-01, v35  }
0x190: {  	v63 =	vcvt.s32.f32 v58;
	v59 =	vadd.f32 v57, v7;
	v17 =	vmul.f32 v29, v17  }
0x191: {  	v7 =	vcvt.s32.f32 v55;
	v12 =	vadd.f32 v12, v19;
	v32 =	vmul.f32 v51, v47  }
0x192: {  	v60 =	vadd.f32 v27, v4;
	v4 =	vcvt.s32.f32 v54;
	v2 =	vadd.f32 v17, v2  }
0x193: {  	v17 =	vadd.f32 v26, v11;
	v11 =	vcvt.s32.f32 v52;
	v61 =	vadd.f32 v32, v18  }
0x194: {  	v18 =	vadd.f32 v31, v14;
	v14 =	vadd.f32 v1, v15;
	v15 =	vcvt.s32.f32 v10  }
0x195: {  	v1 =	vmul.f32 v11, v1;
	v10 =	vadd.f32 v2, v9;
	v2 =	vmul.f32 v4, v2  }
0x196: {  	v19 =	vmul.f32 v62, v59;
	v4 =	vmul.f32 v7, v17;
	v8 =	vadd.f32 v17, v8  }
.Ltmp4:
0x197: {  	v15 =	vmul.f32 v15, v61;
	v11 =	vadd.f32 v1, v20;
	v9 =	vadd.f32 v2, v5;
	(pc) =	sbr.rel @p0 .LBB2_8-.Ltmp4, $4  }
0x198: {  	v1 =	vmul.f32 v63, v60;
	v7 =	vadd.f32 v4, v6;
	v6 =	vadd.f32 v19, v21  }
0x199: {  	v5 =	vadd.f32 v59, v3;
	v3 =	vadd.f32 v60, v24  }
0x19a: {  	v2 =	vadd.f32 v15, v23;
	v4 =	vadd.f32 v1, v22  }
0x19b: {  	v1 =	vadd.f32 v61, v0;
	v0 =	vadd.f32 v28, v16  }
0x19c: {  	s0 =	sadd.s32 s28, s13  }
0x19d: {  	s0 =	sshrl.u32 s0, $0x3  }
0x19e: {  	s30 =	sadd.s32 s5, s0  }
0x19f: {  	[tilespmem:s18], [sflag:$0x2] =	stream.linear.gather [hbm4b:s30+s4], $0x1000, $0x38;
	[tilespmem:$0x6080] =	vst v63  }
.Ltmp5:
0x1a0: {  	_ = 	snop;
	(pc) =	sbr.rel .LBB2_2-.Ltmp5, $4  }
0x1a1: {  	s31 =	sadd.s32 s2, s0  }
0x1a2: {  	[tilespmem:s19], [sflag:$0x2] =	stream.linear.gather [hbm4b:s31+s4], $0x1000, $0x38;
	[tilespmem:$0x6080] =	vst v63  }
0x1a3: {  	s26 =	sadd.s32 $0x1, s26;
	s0 =	sadd.s32 s3, s0  }
0x1a4: {  	[tilespmem:s20], [sflag:$0x2] =	stream.linear.gather [hbm4b:s0+s4], $0x1000, $0x38;
	[tilespmem:$0x6080] =	vst v63  }
.LBB2_9:
0x1a5: {  	_ =	sfence.sel $0x180000  }
0x1a6: {  	[bflag:$0x0] =	sbarrier.arrive $0xFFFF  }
0x1a7: {  	_ =	strace $0x90000047  }
0x1a8: {  	[bflag:$0x2] =	sbarrier.arrive $0xFFFF  }
0x1a9: {  	p0 =	sne.s32 s1, $0x0;
	s0 =	rddreg [dreg:$0x3]  }
0x1aa: {  	s0 =	sadd.s32 @!p0 $0x100000, s0  }
0x1ab: {  	[sflag:s0] =	ssyncadd.tile.s32 @!p0 $0x1;
	_ =	shalt  }
.Lfunc_end2:
_tile_overlayer_lowered:
.L_overlay_start_2:
0x1ac: {  	(tag) =	ssettag $0x2  }
0x1ad: {  	s0 =	rddreg [dreg:$0x0];
	s2 =	stileid.u32  }
0x1ae: {  	s1 =	rddreg [dreg:$0x1];
	p0 =	sne.s32 s2, $0x0  }
0x1af: {  	s3 =	rddreg [dreg:$0x2];
	[bflag:$0x3] =	sbarrier.arrive $0xFFFF;
	s2 =	simm.s32 @!p0 $0x1C03  }
0x1b0: {  	[timem:s3], [sflag:s2] =	dma.local @!p0 [hbm:s0], s1  }
0x1b1: {  	s0 =	simm.s32 @!p0 $0x3  }
0x1b2: {  	_ =	swait.ge @!p0 [sflag:s0], s1  }
0x1b3: {  	s1 =	ssub.s32 @!p0 $0x0, s1;
	[sflag:s0] =	ssyncset.done @!p0 $0x0  }
0x1b4: {  	[sflag:s0] =	ssyncadd.s32 @!p0 s1  }
0x1b5: {  	[bflag:$0x3] =	sbarrier.arrive $0xFFFF  }
0x1b6: {  	_ =	shalt  }

</sc_bundles>
